<compile_context>
chip_gen: v7x
topology: tpu7x:2x2x1
jax: 0.10.2.dev20260603
libtpu: 0.0.44.dev20260713+nightly
codegen_flags: <defaults>
</compile_context>

<pallas_src>
import functools

import jax
import jax.numpy as jnp
from jax import lax
from jax.experimental import pallas as pl
from jax.experimental.pallas import tpu as pltpu
from jax.experimental.pallas import tpu_sc as plsc

BS = 16384
NC = 20
DIM = 128
P = 128
PK = 112
WPR = NC // 2
N_CORES = 2
N_SUB = 16
NW = N_CORES * N_SUB
RPT = BS // NW
CH = 128
CW = CH * WPR
NCH = RPT // CH
GPC = CH // 8


def _sc_histogram(packed):
    mesh = plsc.VectorSubcoreMesh(core_axis_name="c", subcore_axis_name="s")

    @functools.partial(
        pl.kernel,
        mesh=mesh,
        out_type=jax.ShapeDtypeStruct((BS * P,), jnp.float32),
        scratch_types=[
            pltpu.VMEM((CW,), jnp.int32),
            pltpu.VMEM((CW,), jnp.int32),
            pltpu.VMEM((RPT * P,), jnp.float32),
            pltpu.SemaphoreType.DMA,
            pltpu.SemaphoreType.DMA,
            pltpu.SemaphoreType.DMA,
        ],
        compiler_params=pltpu.CompilerParams(needs_layout_passes=False),
    )
    def hist(p_hbm, out_hbm, buf0, buf1, counts, sem0, sem1, sem_out):
        wid = lax.axis_index("s") * N_CORES + lax.axis_index("c")
        base = wid * (RPT * P)
        base_w = wid * (RPT * WPR)
        bufs = (buf0, buf1)
        sems = (sem0, sem1)
        copies = [
            pltpu.make_async_copy(
                p_hbm.at[pl.ds(base_w + c * CW, CW)],
                bufs[c % 2], sems[c % 2])
            for c in range(NCH)
        ]
        copies[0].start()

        zeros16 = jnp.zeros((16,), jnp.float32)

        def zero_body(i, _):
            for u in range(PK // 16):
                counts[pl.ds(i * P + u * 16, 16)] = zeros16
            return 0

        lax.fori_loop(0, RPT, zero_body, 0)

        ones16 = jnp.ones((16,), jnp.float32)
        low7 = jnp.full((16,), 127, jnp.int32)
        lanes = lax.iota(jnp.int32, 16)
        rowp = [((lanes + k * 16) // WPR) * P for k in range(5)]

        out_copies = []
        for c in range(NCH):
            copies[c].wait()
            if c + 1 < NCH:
                copies[c + 1].start()
            buf = bufs[c % 2]
            crow = c * CH

            def body(g, _, buf=buf, crow=crow):
                gbase = (crow + g * 8) * P
                for k in range(5):
                    v = buf[pl.ds(g * 80 + k * 16, 16)]
                    rb = gbase + rowp[k]
                    plsc.addupdate_scatter(
                        counts, [rb + (v & low7)], ones16)
                    plsc.addupdate_scatter(
                        counts,
                        [rb + (lax.shift_right_logical(v, 7) & low7)],
                        ones16)
                    plsc.addupdate_scatter(
                        counts,
                        [rb + (lax.shift_right_logical(v, 16) & low7)],
                        ones16)
                    plsc.addupdate_scatter(
                        counts, [rb + lax.shift_right_logical(v, 23)],
                        ones16)
                return 0

            lax.fori_loop(0, GPC, body, 0)

            oc = pltpu.make_async_copy(
                counts.at[pl.ds(crow * P, CH * P)],
                out_hbm.at[pl.ds(base + crow * P, CH * P)],
                sem_out)
            oc.start()
            out_copies.append(oc)

        for oc in out_copies:
            oc.wait()

    return hist(packed)


def _mm_body(c_ref, t_ref, o_ref):
    o_ref[...] = jnp.dot(c_ref[:, :PK], t_ref[...],
                         preferred_element_type=jnp.float32)


def kernel(ranks, suits, cards, rank_table, suit_table, card_table):
    rs = ranks.astype(jnp.int32) * 4 + suits.astype(jnp.int32)
    p14 = rs | ((cards.astype(jnp.int32) + 52) << 7)
    packed = (p14[:, 0::2] | (p14[:, 1::2] << 16)).reshape(-1)
    counts = _sc_histogram(packed).reshape(BS, P)
    rs_table = (rank_table[:, None, :] + suit_table[None, :, :]).reshape(
        52, DIM)
    table = jnp.concatenate(
        [rs_table, card_table, jnp.zeros((PK - 104, DIM), jnp.float32)],
        axis=0)
    blk = 2048
    return pl.pallas_call(
        _mm_body,
        grid=(BS // blk,),
        in_specs=[
            pl.BlockSpec((blk, P), lambda i: (i, 0)),
            pl.BlockSpec((PK, DIM), lambda i: (0, 0)),
        ],
        out_specs=pl.BlockSpec((blk, DIM), lambda i: (i, 0)),
        out_shape=jax.ShapeDtypeStruct((BS, DIM), jnp.float32),
    )(counts, table)

# --- scband reference (transcript-rebuilt; emitter-appended) ---
"""Pipeline reference for scband-card-group-emb-88416196755584 (READ-ONLY COPY).

The authoritative reference and input builder live on the scoring server;
editing this copy changes nothing except your own understanding.
"""

import jax, jax.numpy as jnp
import numpy as np

N_RANKS = 13
N_SUITS = 4
N_CARDS_VOCAB = N_RANKS * N_SUITS
DIM = 128
BS = 16384
NC = 20


def setup_inputs(seed: int = 0) -> dict:
    key = jax.random.key(seed)
    k1, k2, k3, k4, k5, k6 = jax.random.split(key, 6)
    ranks = jax.random.randint(k1, (BS, NC), 0, N_RANKS)
    suits = jax.random.randint(k2, (BS, NC), 0, N_SUITS)
    cards = jax.random.randint(k3, (BS, NC), 0, N_CARDS_VOCAB)
    rank_table = jax.random.normal(k4, (N_RANKS, DIM), dtype=jnp.float32)
    suit_table = jax.random.normal(k5, (N_SUITS, DIM), dtype=jnp.float32)
    card_table = jax.random.normal(k6, (N_CARDS_VOCAB, DIM), dtype=jnp.float32)
    return {
        "ranks": ranks,
        "suits": suits,
        "cards": cards,
        "rank_table": rank_table,
        "suit_table": suit_table,
        "card_table": card_table,
    }


def reference(ranks, suits, cards, rank_table, suit_table, card_table):
    bs, n_cards = cards.shape
    r = ranks.reshape(-1)
    valid_r = (r >= 0).astype(jnp.float32)[:, None]
    r = jnp.clip(r, 0, None)
    embs = jnp.take(rank_table, r, axis=0) * valid_r
    s = suits.reshape(-1)
    c = cards.reshape(-1)
    valid_s = (s >= 0).astype(jnp.float32)[:, None]
    valid_c = (c >= 0).astype(jnp.float32)[:, None]
    s = jnp.clip(s, 0, None)
    c = jnp.clip(c, 0, None)
    embs = embs + jnp.take(card_table, c, axis=0) * valid_c + jnp.take(suit_table, s, axis=0) * valid_s
    return embs.reshape(bs, n_cards, -1).sum(axis=1)

if __name__ == "__main__":
    import jax
    _d = setup_inputs()
    print(jax.jit(kernel)(*tuple(_d.values())))

</pallas_src>

<mosaic_0001>
#map = affine_map<(d0, d1) -> (0)>
module attributes {stable_mosaic.version = 14 : i64} {
  func.func @hist(%arg0: i32, %arg1: i32, %arg2: memref<163840xi32, #tpu.memory_space<hbm>>, %arg3: memref<2097152xf32, #tpu.memory_space<hbm>>, %arg4: memref<1280xi32, #tpu.memory_space<vmem>>, %arg5: memref<1280xi32, #tpu.memory_space<vmem>>, %arg6: memref<65536xf32, #tpu.memory_space<vmem>>, %arg7: memref<!tpu.dma_semaphore, #tpu.memory_space<semaphore_mem>>, %arg8: memref<!tpu.dma_semaphore, #tpu.memory_space<semaphore_mem>>, %arg9: memref<!tpu.dma_semaphore, #tpu.memory_space<semaphore_mem>>) attributes {dimension_semantics = [#tpu.dimension_semantics<core_parallel>, #tpu.dimension_semantics<subcore_parallel>], iteration_bounds = array<i64: 2, 16>, scalar_prefetch = 0 : i64, scratch_operands = 6 : i64, tpu.core_type = #tpu.core_type<sc_vector_subcore>, window_params = [{transform_indices = #map}, {transform_indices = #map}]} {
    %mul3A = arith.constant 2 : i32
    %mul3A_0 = arith.muli %arg1, %mul3A : i32
    %add3A = arith.addi %mul3A_0, %arg0 : i32
    %mul3A_1 = arith.constant 65536 : i32
    %mul3A_2 = arith.muli %add3A, %mul3A_1 : i32
    %mul3A_3 = arith.constant 5120 : i32
    %mul3A_4 = arith.muli %add3A, %mul3A_3 : i32
    %add3A_5 = arith.constant 0 : i32
    %add3A_6 = arith.addi %mul3A_4, %add3A_5 : i32
    %add3A_7 = arith.constant 1280 : i32
    %add3A_8 = arith.addi %mul3A_4, %add3A_7 : i32
    %add3A_9 = arith.constant 2560 : i32
    %add3A_10 = arith.addi %mul3A_4, %add3A_9 : i32
    %add3A_11 = arith.constant 3840 : i32
    %add3A_12 = arith.addi %mul3A_4, %add3A_11 : i32
    %dma_start3A = tpu.memref_slice %arg2[%add3A_6] : memref<163840xi32, #tpu.memory_space<hbm>> -> memref<1280xi32, #tpu.memory_space<hbm>>
    %dma_start3A_13 = tpu.memref_slice %arg2[%add3A_6] : memref<163840xi32, #tpu.memory_space<hbm>> -> memref<1280xi32, #tpu.memory_space<hbm>>
    tpu.enqueue_dma source(%dma_start3A_13 : memref<1280xi32, #tpu.memory_space<hbm>>) target(%arg4 : memref<1280xi32, #tpu.memory_space<vmem>>) target_semaphore(%arg7 : memref<!tpu.dma_semaphore, #tpu.memory_space<semaphore_mem>>)
    %broadcast_in_dim3A = arith.constant 0.000000e+00 : f32
    %broadcast_in_dim3A_14 = vector.broadcast %broadcast_in_dim3A : f32 to vector<16xf32>
    %scan3A = arith.constant 0 : i32
    %scan3A_15 = arith.constant 0 : i32
    %scan3A_16 = arith.constant 512 : i32
    %scan3A_17 = arith.addi %scan3A_15, %scan3A_16 : i32
    %scan3A_18 = arith.constant 1 : i32
    %scan3A_19 = scf.for %scan3A_299 = %scan3A_15 to %scan3A_17 step %scan3A_18 iter_args(%scan3A_300 = %scan3A) -> (i32)  : i32 {
      %mul3A_301 = arith.constant 128 : i32
      %mul3A_302 = arith.muli %scan3A_299, %mul3A_301 : i32
      %add3A_303 = arith.constant 0 : i32
      %add3A_304 = arith.addi %mul3A_302, %add3A_303 : i32
      %swap3A = arith.index_cast %add3A_304 : i32 to index
      %swap3A_305 = tpu.vector_load %arg6[%swap3A] {strides = array<i32>} : memref<65536xf32, #tpu.memory_space<vmem>>, vector<16xf32>,
      tpu.vector_store %arg6[%swap3A], %broadcast_in_dim3A_14 {strides = array<i32>} : memref<65536xf32, #tpu.memory_space<vmem>>, vector<16xf32>,
      %mul3A_306 = arith.constant 128 : i32
      %mul3A_307 = arith.muli %scan3A_299, %mul3A_306 : i32
      %add3A_308 = arith.constant 16 : i32
      %add3A_309 = arith.addi %mul3A_307, %add3A_308 : i32
      %swap3A_310 = arith.index_cast %add3A_309 : i32 to index
      %swap3A_311 = tpu.vector_load %arg6[%swap3A_310] {strides = array<i32>} : memref<65536xf32, #tpu.memory_space<vmem>>, vector<16xf32>,
      tpu.vector_store %arg6[%swap3A_310], %broadcast_in_dim3A_14 {strides = array<i32>} : memref<65536xf32, #tpu.memory_space<vmem>>, vector<16xf32>,
      %mul3A_312 = arith.constant 128 : i32
      %mul3A_313 = arith.muli %scan3A_299, %mul3A_312 : i32
      %add3A_314 = arith.constant 32 : i32
      %add3A_315 = arith.addi %mul3A_313, %add3A_314 : i32
      %swap3A_316 = arith.index_cast %add3A_315 : i32 to index
      %swap3A_317 = tpu.vector_load %arg6[%swap3A_316] {strides = array<i32>} : memref<65536xf32, #tpu.memory_space<vmem>>, vector<16xf32>,
      tpu.vector_store %arg6[%swap3A_316], %broadcast_in_dim3A_14 {strides = array<i32>} : memref<65536xf32, #tpu.memory_space<vmem>>, vector<16xf32>,
      %mul3A_318 = arith.constant 128 : i32
      %mul3A_319 = arith.muli %scan3A_299, %mul3A_318 : i32
      %add3A_320 = arith.constant 48 : i32
      %add3A_321 = arith.addi %mul3A_319, %add3A_320 : i32
      %swap3A_322 = arith.index_cast %add3A_321 : i32 to index
      %swap3A_323 = tpu.vector_load %arg6[%swap3A_322] {strides = array<i32>} : memref<65536xf32, #tpu.memory_space<vmem>>, vector<16xf32>,
      tpu.vector_store %arg6[%swap3A_322], %broadcast_in_dim3A_14 {strides = array<i32>} : memref<65536xf32, #tpu.memory_space<vmem>>, vector<16xf32>,
      %mul3A_324 = arith.constant 128 : i32
      %mul3A_325 = arith.muli %scan3A_299, %mul3A_324 : i32
      %add3A_326 = arith.constant 64 : i32
      %add3A_327 = arith.addi %mul3A_325, %add3A_326 : i32
      %swap3A_328 = arith.index_cast %add3A_327 : i32 to index
      %swap3A_329 = tpu.vector_load %arg6[%swap3A_328] {strides = array<i32>} : memref<65536xf32, #tpu.memory_space<vmem>>, vector<16xf32>,
      tpu.vector_store %arg6[%swap3A_328], %broadcast_in_dim3A_14 {strides = array<i32>} : memref<65536xf32, #tpu.memory_space<vmem>>, vector<16xf32>,
      %mul3A_330 = arith.constant 128 : i32
      %mul3A_331 = arith.muli %scan3A_299, %mul3A_330 : i32
      %add3A_332 = arith.constant 80 : i32
      %add3A_333 = arith.addi %mul3A_331, %add3A_332 : i32
      %swap3A_334 = arith.index_cast %add3A_333 : i32 to index
      %swap3A_335 = tpu.vector_load %arg6[%swap3A_334] {strides = array<i32>} : memref<65536xf32, #tpu.memory_space<vmem>>, vector<16xf32>,
      tpu.vector_store %arg6[%swap3A_334], %broadcast_in_dim3A_14 {strides = array<i32>} : memref<65536xf32, #tpu.memory_space<vmem>>, vector<16xf32>,
      %mul3A_336 = arith.constant 128 : i32
      %mul3A_337 = arith.muli %scan3A_299, %mul3A_336 : i32
      %add3A_338 = arith.constant 96 : i32
      %add3A_339 = arith.addi %mul3A_337, %add3A_338 : i32
      %swap3A_340 = arith.index_cast %add3A_339 : i32 to index
      %swap3A_341 = tpu.vector_load %arg6[%swap3A_340] {strides = array<i32>} : memref<65536xf32, #tpu.memory_space<vmem>>, vector<16xf32>,
      tpu.vector_store %arg6[%swap3A_340], %broadcast_in_dim3A_14 {strides = array<i32>} : memref<65536xf32, #tpu.memory_space<vmem>>, vector<16xf32>,
      %scan3A_342 = arith.constant 0 : i32
      scf.yield %scan3A_342 : i32
    }
    %scan3A_20 = arith.constant 512 : i32
    %broadcast_in_dim3A_21 = arith.constant 1.000000e+00 : f32
    %broadcast_in_dim3A_22 = vector.broadcast %broadcast_in_dim3A_21 : f32 to vector<16xf32>
    %broadcast_in_dim3A_23 = arith.constant 127 : i32
    %broadcast_in_dim3A_24 = vector.broadcast %broadcast_in_dim3A_23 : i32 to vector<16xi32>
    %iota3A = tpu.iota {dimensions = array<i32: 0>} : vector<16xi32>
    %add3A_25 = arith.constant 0 : i32
    %add3A_26 = vector.broadcast %add3A_25 : i32 to vector<16xi32>
    %add3A_27 = arith.addi %iota3A, %add3A_26 : vector<16xi32>
    %jit3A = arith.constant 10 : i32
    %div3A = vector.broadcast %jit3A : i32 to vector<16xi32>
    %div3A_28 = arith.divsi %add3A_27, %div3A : vector<16xi32>
    %sign3A = arith.constant 0 : i32
    %sign3A_29 = vector.broadcast %sign3A : i32 to vector<16xi32>
    %sign3A_30 = arith.cmpi sgt, %add3A_27, %sign3A_29 : vector<16xi32>
    %sign3A_31 = arith.extui %sign3A_30 : vector<16xi1> to vector<16xi32>
    %sign3A_32 = arith.constant 0 : i32
    %sign3A_33 = vector.broadcast %sign3A_32 : i32 to vector<16xi32>
    %sign3A_34 = arith.cmpi slt, %add3A_27, %sign3A_33 : vector<16xi32>
    %sign3A_35 = arith.extui %sign3A_34 : vector<16xi1> to vector<16xi32>
    %sign3A_36 = arith.subi %sign3A_31, %sign3A_35 : vector<16xi32>
    %sign3A_37 = arith.constant 0 : i32
    %sign3A_38 = arith.cmpi sgt, %jit3A, %sign3A_37 : i32
    %sign3A_39 = arith.extui %sign3A_38 : i1 to i32
    %sign3A_40 = arith.constant 0 : i32
    %sign3A_41 = arith.cmpi slt, %jit3A, %sign3A_40 : i32
    %sign3A_42 = arith.extui %sign3A_41 : i1 to i32
    %sign3A_43 = arith.subi %sign3A_39, %sign3A_42 : i32
    %ne3A = vector.broadcast %sign3A_43 : i32 to vector<16xi32>
    %ne3A_44 = arith.cmpi ne, %sign3A_36, %ne3A : vector<16xi32>
    %rem3A = vector.broadcast %jit3A : i32 to vector<16xi32>
    %rem3A_45 = arith.remsi %add3A_27, %rem3A : vector<16xi32>
    %ne3A_46 = arith.constant 0 : i32
    %ne3A_47 = vector.broadcast %ne3A_46 : i32 to vector<16xi32>
    %ne3A_48 = arith.cmpi ne, %rem3A_45, %ne3A_47 : vector<16xi32>
    %and3A = arith.andi %ne3A_44, %ne3A_48 : vector<16xi1>
    %sub3A = arith.constant 1 : i32
    %sub3A_49 = vector.broadcast %sub3A : i32 to vector<16xi32>
    %sub3A_50 = arith.subi %div3A_28, %sub3A_49 : vector<16xi32>
    %select_n3A = arith.select %and3A, %sub3A_50, %div3A_28 : vector<16xi1>, vector<16xi32>
    %mul3A_51 = arith.constant 128 : i32
    %mul3A_52 = vector.broadcast %mul3A_51 : i32 to vector<16xi32>
    %mul3A_53 = arith.muli %select_n3A, %mul3A_52 : vector<16xi32>
    %add3A_54 = arith.constant 16 : i32
    %add3A_55 = vector.broadcast %add3A_54 : i32 to vector<16xi32>
    %add3A_56 = arith.addi %iota3A, %add3A_55 : vector<16xi32>
    %jit3A_57 = arith.constant 10 : i32
    %div3A_58 = vector.broadcast %jit3A_57 : i32 to vector<16xi32>
    %div3A_59 = arith.divsi %add3A_56, %div3A_58 : vector<16xi32>
    %sign3A_60 = arith.constant 0 : i32
    %sign3A_61 = vector.broadcast %sign3A_60 : i32 to vector<16xi32>
    %sign3A_62 = arith.cmpi sgt, %add3A_56, %sign3A_61 : vector<16xi32>
    %sign3A_63 = arith.extui %sign3A_62 : vector<16xi1> to vector<16xi32>
    %sign3A_64 = arith.constant 0 : i32
    %sign3A_65 = vector.broadcast %sign3A_64 : i32 to vector<16xi32>
    %sign3A_66 = arith.cmpi slt, %add3A_56, %sign3A_65 : vector<16xi32>
    %sign3A_67 = arith.extui %sign3A_66 : vector<16xi1> to vector<16xi32>
    %sign3A_68 = arith.subi %sign3A_63, %sign3A_67 : vector<16xi32>
    %sign3A_69 = arith.constant 0 : i32
    %sign3A_70 = arith.cmpi sgt, %jit3A_57, %sign3A_69 : i32
    %sign3A_71 = arith.extui %sign3A_70 : i1 to i32
    %sign3A_72 = arith.constant 0 : i32
    %sign3A_73 = arith.cmpi slt, %jit3A_57, %sign3A_72 : i32
    %sign3A_74 = arith.extui %sign3A_73 : i1 to i32
    %sign3A_75 = arith.subi %sign3A_71, %sign3A_74 : i32
    %ne3A_76 = vector.broadcast %sign3A_75 : i32 to vector<16xi32>
    %ne3A_77 = arith.cmpi ne, %sign3A_68, %ne3A_76 : vector<16xi32>
    %rem3A_78 = vector.broadcast %jit3A_57 : i32 to vector<16xi32>
    %rem3A_79 = arith.remsi %add3A_56, %rem3A_78 : vector<16xi32>
    %ne3A_80 = arith.constant 0 : i32
    %ne3A_81 = vector.broadcast %ne3A_80 : i32 to vector<16xi32>
    %ne3A_82 = arith.cmpi ne, %rem3A_79, %ne3A_81 : vector<16xi32>
    %and3A_83 = arith.andi %ne3A_77, %ne3A_82 : vector<16xi1>
    %sub3A_84 = arith.constant 1 : i32
    %sub3A_85 = vector.broadcast %sub3A_84 : i32 to vector<16xi32>
    %sub3A_86 = arith.subi %div3A_59, %sub3A_85 : vector<16xi32>
    %select_n3A_87 = arith.select %and3A_83, %sub3A_86, %div3A_59 : vector<16xi1>, vector<16xi32>
    %mul3A_88 = arith.constant 128 : i32
    %mul3A_89 = vector.broadcast %mul3A_88 : i32 to vector<16xi32>
    %mul3A_90 = arith.muli %select_n3A_87, %mul3A_89 : vector<16xi32>
    %add3A_91 = arith.constant 32 : i32
    %add3A_92 = vector.broadcast %add3A_91 : i32 to vector<16xi32>
    %add3A_93 = arith.addi %iota3A, %add3A_92 : vector<16xi32>
    %jit3A_94 = arith.constant 10 : i32
    %div3A_95 = vector.broadcast %jit3A_94 : i32 to vector<16xi32>
    %div3A_96 = arith.divsi %add3A_93, %div3A_95 : vector<16xi32>
    %sign3A_97 = arith.constant 0 : i32
    %sign3A_98 = vector.broadcast %sign3A_97 : i32 to vector<16xi32>
    %sign3A_99 = arith.cmpi sgt, %add3A_93, %sign3A_98 : vector<16xi32>
    %sign3A_100 = arith.extui %sign3A_99 : vector<16xi1> to vector<16xi32>
    %sign3A_101 = arith.constant 0 : i32
    %sign3A_102 = vector.broadcast %sign3A_101 : i32 to vector<16xi32>
    %sign3A_103 = arith.cmpi slt, %add3A_93, %sign3A_102 : vector<16xi32>
    %sign3A_104 = arith.extui %sign3A_103 : vector<16xi1> to vector<16xi32>
    %sign3A_105 = arith.subi %sign3A_100, %sign3A_104 : vector<16xi32>
    %sign3A_106 = arith.constant 0 : i32
    %sign3A_107 = arith.cmpi sgt, %jit3A_94, %sign3A_106 : i32
    %sign3A_108 = arith.extui %sign3A_107 : i1 to i32
    %sign3A_109 = arith.constant 0 : i32
    %sign3A_110 = arith.cmpi slt, %jit3A_94, %sign3A_109 : i32
    %sign3A_111 = arith.extui %sign3A_110 : i1 to i32
    %sign3A_112 = arith.subi %sign3A_108, %sign3A_111 : i32
    %ne3A_113 = vector.broadcast %sign3A_112 : i32 to vector<16xi32>
    %ne3A_114 = arith.cmpi ne, %sign3A_105, %ne3A_113 : vector<16xi32>
    %rem3A_115 = vector.broadcast %jit3A_94 : i32 to vector<16xi32>
    %rem3A_116 = arith.remsi %add3A_93, %rem3A_115 : vector<16xi32>
    %ne3A_117 = arith.constant 0 : i32
    %ne3A_118 = vector.broadcast %ne3A_117 : i32 to vector<16xi32>
    %ne3A_119 = arith.cmpi ne, %rem3A_116, %ne3A_118 : vector<16xi32>
    %and3A_120 = arith.andi %ne3A_114, %ne3A_119 : vector<16xi1>
    %sub3A_121 = arith.constant 1 : i32
    %sub3A_122 = vector.broadcast %sub3A_121 : i32 to vector<16xi32>
    %sub3A_123 = arith.subi %div3A_96, %sub3A_122 : vector<16xi32>
    %select_n3A_124 = arith.select %and3A_120, %sub3A_123, %div3A_96 : vector<16xi1>, vector<16xi32>
    %mul3A_125 = arith.constant 128 : i32
    %mul3A_126 = vector.broadcast %mul3A_125 : i32 to vector<16xi32>
    %mul3A_127 = arith.muli %select_n3A_124, %mul3A_126 : vector<16xi32>
    %add3A_128 = arith.constant 48 : i32
    %add3A_129 = vector.broadcast %add3A_128 : i32 to vector<16xi32>
    %add3A_130 = arith.addi %iota3A, %add3A_129 : vector<16xi32>
    %jit3A_131 = arith.constant 10 : i32
    %div3A_132 = vector.broadcast %jit3A_131 : i32 to vector<16xi32>
    %div3A_133 = arith.divsi %add3A_130, %div3A_132 : vector<16xi32>
    %sign3A_134 = arith.constant 0 : i32
    %sign3A_135 = vector.broadcast %sign3A_134 : i32 to vector<16xi32>
    %sign3A_136 = arith.cmpi sgt, %add3A_130, %sign3A_135 : vector<16xi32>
    %sign3A_137 = arith.extui %sign3A_136 : vector<16xi1> to vector<16xi32>
    %sign3A_138 = arith.constant 0 : i32
    %sign3A_139 = vector.broadcast %sign3A_138 : i32 to vector<16xi32>
    %sign3A_140 = arith.cmpi slt, %add3A_130, %sign3A_139 : vector<16xi32>
    %sign3A_141 = arith.extui %sign3A_140 : vector<16xi1> to vector<16xi32>
    %sign3A_142 = arith.subi %sign3A_137, %sign3A_141 : vector<16xi32>
    %sign3A_143 = arith.constant 0 : i32
    %sign3A_144 = arith.cmpi sgt, %jit3A_131, %sign3A_143 : i32
    %sign3A_145 = arith.extui %sign3A_144 : i1 to i32
    %sign3A_146 = arith.constant 0 : i32
    %sign3A_147 = arith.cmpi slt, %jit3A_131, %sign3A_146 : i32
    %sign3A_148 = arith.extui %sign3A_147 : i1 to i32
    %sign3A_149 = arith.subi %sign3A_145, %sign3A_148 : i32
    %ne3A_150 = vector.broadcast %sign3A_149 : i32 to vector<16xi32>
    %ne3A_151 = arith.cmpi ne, %sign3A_142, %ne3A_150 : vector<16xi32>
    %rem3A_152 = vector.broadcast %jit3A_131 : i32 to vector<16xi32>
    %rem3A_153 = arith.remsi %add3A_130, %rem3A_152 : vector<16xi32>
    %ne3A_154 = arith.constant 0 : i32
    %ne3A_155 = vector.broadcast %ne3A_154 : i32 to vector<16xi32>
    %ne3A_156 = arith.cmpi ne, %rem3A_153, %ne3A_155 : vector<16xi32>
    %and3A_157 = arith.andi %ne3A_151, %ne3A_156 : vector<16xi1>
    %sub3A_158 = arith.constant 1 : i32
    %sub3A_159 = vector.broadcast %sub3A_158 : i32 to vector<16xi32>
    %sub3A_160 = arith.subi %div3A_133, %sub3A_159 : vector<16xi32>
    %select_n3A_161 = arith.select %and3A_157, %sub3A_160, %div3A_133 : vector<16xi1>, vector<16xi32>
    %mul3A_162 = arith.constant 128 : i32
    %mul3A_163 = vector.broadcast %mul3A_162 : i32 to vector<16xi32>
    %mul3A_164 = arith.muli %select_n3A_161, %mul3A_163 : vector<16xi32>
    %add3A_165 = arith.constant 64 : i32
    %add3A_166 = vector.broadcast %add3A_165 : i32 to vector<16xi32>
    %add3A_167 = arith.addi %iota3A, %add3A_166 : vector<16xi32>
    %jit3A_168 = arith.constant 10 : i32
    %div3A_169 = vector.broadcast %jit3A_168 : i32 to vector<16xi32>
    %div3A_170 = arith.divsi %add3A_167, %div3A_169 : vector<16xi32>
    %sign3A_171 = arith.constant 0 : i32
    %sign3A_172 = vector.broadcast %sign3A_171 : i32 to vector<16xi32>
    %sign3A_173 = arith.cmpi sgt, %add3A_167, %sign3A_172 : vector<16xi32>
    %sign3A_174 = arith.extui %sign3A_173 : vector<16xi1> to vector<16xi32>
    %sign3A_175 = arith.constant 0 : i32
    %sign3A_176 = vector.broadcast %sign3A_175 : i32 to vector<16xi32>
    %sign3A_177 = arith.cmpi slt, %add3A_167, %sign3A_176 : vector<16xi32>
    %sign3A_178 = arith.extui %sign3A_177 : vector<16xi1> to vector<16xi32>
    %sign3A_179 = arith.subi %sign3A_174, %sign3A_178 : vector<16xi32>
    %sign3A_180 = arith.constant 0 : i32
    %sign3A_181 = arith.cmpi sgt, %jit3A_168, %sign3A_180 : i32
    %sign3A_182 = arith.extui %sign3A_181 : i1 to i32
    %sign3A_183 = arith.constant 0 : i32
    %sign3A_184 = arith.cmpi slt, %jit3A_168, %sign3A_183 : i32
    %sign3A_185 = arith.extui %sign3A_184 : i1 to i32
    %sign3A_186 = arith.subi %sign3A_182, %sign3A_185 : i32
    %ne3A_187 = vector.broadcast %sign3A_186 : i32 to vector<16xi32>
    %ne3A_188 = arith.cmpi ne, %sign3A_179, %ne3A_187 : vector<16xi32>
    %rem3A_189 = vector.broadcast %jit3A_168 : i32 to vector<16xi32>
    %rem3A_190 = arith.remsi %add3A_167, %rem3A_189 : vector<16xi32>
    %ne3A_191 = arith.constant 0 : i32
    %ne3A_192 = vector.broadcast %ne3A_191 : i32 to vector<16xi32>
    %ne3A_193 = arith.cmpi ne, %rem3A_190, %ne3A_192 : vector<16xi32>
    %and3A_194 = arith.andi %ne3A_188, %ne3A_193 : vector<16xi1>
    %sub3A_195 = arith.constant 1 : i32
    %sub3A_196 = vector.broadcast %sub3A_195 : i32 to vector<16xi32>
    %sub3A_197 = arith.subi %div3A_170, %sub3A_196 : vector<16xi32>
    %select_n3A_198 = arith.select %and3A_194, %sub3A_197, %div3A_170 : vector<16xi1>, vector<16xi32>
    %mul3A_199 = arith.constant 128 : i32
    %mul3A_200 = vector.broadcast %mul3A_199 : i32 to vector<16xi32>
    %mul3A_201 = arith.muli %select_n3A_198, %mul3A_200 : vector<16xi32>
    %dma_wait3A = tpu.memref_slice %arg2[%add3A_6] : memref<163840xi32, #tpu.memory_space<hbm>> -> memref<1280xi32, #tpu.memory_space<hbm>>
    %dma_wait3A_202 = tpu.memref_slice %arg2[%add3A_6] : memref<163840xi32, #tpu.memory_space<hbm>> -> memref<1280xi32, #tpu.memory_space<hbm>>
    tpu.wait_dma2 semaphore(%arg7 : memref<!tpu.dma_semaphore, #tpu.memory_space<semaphore_mem>>) src(%dma_wait3A_202 : memref<1280xi32, #tpu.memory_space<hbm>>) dst(%arg4 : memref<1280xi32, #tpu.memory_space<vmem>>)
    %dma_start3A_203 = tpu.memref_slice %arg2[%add3A_8] : memref<163840xi32, #tpu.memory_space<hbm>> -> memref<1280xi32, #tpu.memory_space<hbm>>
    %dma_start3A_204 = tpu.memref_slice %arg2[%add3A_8] : memref<163840xi32, #tpu.memory_space<hbm>> -> memref<1280xi32, #tpu.memory_space<hbm>>
    tpu.enqueue_dma source(%dma_start3A_204 : memref<1280xi32, #tpu.memory_space<hbm>>) target(%arg5 : memref<1280xi32, #tpu.memory_space<vmem>>) target_semaphore(%arg8 : memref<!tpu.dma_semaphore, #tpu.memory_space<semaphore_mem>>)
    %scan3A_205 = arith.constant 0 : i32
    %scan3A_206 = arith.constant 0 : i32
    %scan3A_207 = arith.constant 16 : i32
    %scan3A_208 = arith.addi %scan3A_206, %scan3A_207 : i32
    %scan3A_209 = arith.constant 1 : i32
    %scan3A_210 = scf.for %scan3A_299 = %scan3A_206 to %scan3A_208 step %scan3A_209 iter_args(%scan3A_300 = %scan3A_205) -> (i32)  : i32 {
      %mul3A_301 = arith.constant 8 : i32
      %mul3A_302 = arith.muli %scan3A_299, %mul3A_301 : i32
      %add3A_303 = arith.constant 0 : i32
      %add3A_304 = arith.addi %add3A_303, %mul3A_302 : i32
      %mul3A_305 = arith.constant 128 : i32
      %mul3A_306 = arith.muli %add3A_304, %mul3A_305 : i32
      %mul3A_307 = arith.constant 80 : i32
      %mul3A_308 = arith.muli %scan3A_299, %mul3A_307 : i32
      %add3A_309 = arith.constant 0 : i32
      %add3A_310 = arith.addi %mul3A_308, %add3A_309 : i32
      %get3A = arith.index_cast %add3A_310 : i32 to index
      %get3A_311 = tpu.vector_load %arg4[%get3A] {strides = array<i32>} : memref<1280xi32, #tpu.memory_space<vmem>>, vector<16xi32>,
      %add3A_312 = vector.broadcast %mul3A_306 : i32 to vector<16xi32>
      %add3A_313 = arith.addi %add3A_312, %mul3A_53 : vector<16xi32>
      %and3A_314 = arith.andi %get3A_311, %broadcast_in_dim3A_24 : vector<16xi32>
      %add3A_315 = arith.addi %add3A_313, %and3A_314 : vector<16xi32>
      tpu.vector_store_idx %arg6[%add3A_315], %broadcast_in_dim3A_22 {add = true} : memref<65536xf32, #tpu.memory_space<vmem>>[vector<16xi32>], vector<16xf32>,
      %shift_right_logical3A = arith.constant 7 : i32
      %shift_right_logical3A_316 = vector.broadcast %shift_right_logical3A : i32 to vector<16xi32>
      %shift_right_logical3A_317 = arith.shrui %get3A_311, %shift_right_logical3A_316 : vector<16xi32>
      %and3A_318 = arith.andi %shift_right_logical3A_317, %broadcast_in_dim3A_24 : vector<16xi32>
      %add3A_319 = arith.addi %add3A_313, %and3A_318 : vector<16xi32>
      tpu.vector_store_idx %arg6[%add3A_319], %broadcast_in_dim3A_22 {add = true} : memref<65536xf32, #tpu.memory_space<vmem>>[vector<16xi32>], vector<16xf32>,
      %shift_right_logical3A_320 = arith.constant 16 : i32
      %shift_right_logical3A_321 = vector.broadcast %shift_right_logical3A_320 : i32 to vector<16xi32>
      %shift_right_logical3A_322 = arith.shrui %get3A_311, %shift_right_logical3A_321 : vector<16xi32>
      %and3A_323 = arith.andi %shift_right_logical3A_322, %broadcast_in_dim3A_24 : vector<16xi32>
      %add3A_324 = arith.addi %add3A_313, %and3A_323 : vector<16xi32>
      tpu.vector_store_idx %arg6[%add3A_324], %broadcast_in_dim3A_22 {add = true} : memref<65536xf32, #tpu.memory_space<vmem>>[vector<16xi32>], vector<16xf32>,
      %shift_right_logical3A_325 = arith.constant 23 : i32
      %shift_right_logical3A_326 = vector.broadcast %shift_right_logical3A_325 : i32 to vector<16xi32>
      %shift_right_logical3A_327 = arith.shrui %get3A_311, %shift_right_logical3A_326 : vector<16xi32>
      %add3A_328 = arith.addi %add3A_313, %shift_right_logical3A_327 : vector<16xi32>
      tpu.vector_store_idx %arg6[%add3A_328], %broadcast_in_dim3A_22 {add = true} : memref<65536xf32, #tpu.memory_space<vmem>>[vector<16xi32>], vector<16xf32>,
      %mul3A_329 = arith.constant 80 : i32
      %mul3A_330 = arith.muli %scan3A_299, %mul3A_329 : i32
      %add3A_331 = arith.constant 16 : i32
      %add3A_332 = arith.addi %mul3A_330, %add3A_331 : i32
      %get3A_333 = arith.index_cast %add3A_332 : i32 to index
      %get3A_334 = tpu.vector_load %arg4[%get3A_333] {strides = array<i32>} : memref<1280xi32, #tpu.memory_space<vmem>>, vector<16xi32>,
      %add3A_335 = vector.broadcast %mul3A_306 : i32 to vector<16xi32>
      %add3A_336 = arith.addi %add3A_335, %mul3A_90 : vector<16xi32>
      %and3A_337 = arith.andi %get3A_334, %broadcast_in_dim3A_24 : vector<16xi32>
      %add3A_338 = arith.addi %add3A_336, %and3A_337 : vector<16xi32>
      tpu.vector_store_idx %arg6[%add3A_338], %broadcast_in_dim3A_22 {add = true} : memref<65536xf32, #tpu.memory_space<vmem>>[vector<16xi32>], vector<16xf32>,
      %shift_right_logical3A_339 = arith.constant 7 : i32
      %shift_right_logical3A_340 = vector.broadcast %shift_right_logical3A_339 : i32 to vector<16xi32>
      %shift_right_logical3A_341 = arith.shrui %get3A_334, %shift_right_logical3A_340 : vector<16xi32>
      %and3A_342 = arith.andi %shift_right_logical3A_341, %broadcast_in_dim3A_24 : vector<16xi32>
      %add3A_343 = arith.addi %add3A_336, %and3A_342 : vector<16xi32>
      tpu.vector_store_idx %arg6[%add3A_343], %broadcast_in_dim3A_22 {add = true} : memref<65536xf32, #tpu.memory_space<vmem>>[vector<16xi32>], vector<16xf32>,
      %shift_right_logical3A_344 = arith.constant 16 : i32
      %shift_right_logical3A_345 = vector.broadcast %shift_right_logical3A_344 : i32 to vector<16xi32>
      %shift_right_logical3A_346 = arith.shrui %get3A_334, %shift_right_logical3A_345 : vector<16xi32>
      %and3A_347 = arith.andi %shift_right_logical3A_346, %broadcast_in_dim3A_24 : vector<16xi32>
      %add3A_348 = arith.addi %add3A_336, %and3A_347 : vector<16xi32>
      tpu.vector_store_idx %arg6[%add3A_348], %broadcast_in_dim3A_22 {add = true} : memref<65536xf32, #tpu.memory_space<vmem>>[vector<16xi32>], vector<16xf32>,
      %shift_right_logical3A_349 = arith.constant 23 : i32
      %shift_right_logical3A_350 = vector.broadcast %shift_right_logical3A_349 : i32 to vector<16xi32>
      %shift_right_logical3A_351 = arith.shrui %get3A_334, %shift_right_logical3A_350 : vector<16xi32>
      %add3A_352 = arith.addi %add3A_336, %shift_right_logical3A_351 : vector<16xi32>
      tpu.vector_store_idx %arg6[%add3A_352], %broadcast_in_dim3A_22 {add = true} : memref<65536xf32, #tpu.memory_space<vmem>>[vector<16xi32>], vector<16xf32>,
      %mul3A_353 = arith.constant 80 : i32
      %mul3A_354 = arith.muli %scan3A_299, %mul3A_353 : i32
      %add3A_355 = arith.constant 32 : i32
      %add3A_356 = arith.addi %mul3A_354, %add3A_355 : i32
      %get3A_357 = arith.index_cast %add3A_356 : i32 to index
      %get3A_358 = tpu.vector_load %arg4[%get3A_357] {strides = array<i32>} : memref<1280xi32, #tpu.memory_space<vmem>>, vector<16xi32>,
      %add3A_359 = vector.broadcast %mul3A_306 : i32 to vector<16xi32>
      %add3A_360 = arith.addi %add3A_359, %mul3A_127 : vector<16xi32>
      %and3A_361 = arith.andi %get3A_358, %broadcast_in_dim3A_24 : vector<16xi32>
      %add3A_362 = arith.addi %add3A_360, %and3A_361 : vector<16xi32>
      tpu.vector_store_idx %arg6[%add3A_362], %broadcast_in_dim3A_22 {add = true} : memref<65536xf32, #tpu.memory_space<vmem>>[vector<16xi32>], vector<16xf32>,
      %shift_right_logical3A_363 = arith.constant 7 : i32
      %shift_right_logical3A_364 = vector.broadcast %shift_right_logical3A_363 : i32 to vector<16xi32>
      %shift_right_logical3A_365 = arith.shrui %get3A_358, %shift_right_logical3A_364 : vector<16xi32>
      %and3A_366 = arith.andi %shift_right_logical3A_365, %broadcast_in_dim3A_24 : vector<16xi32>
      %add3A_367 = arith.addi %add3A_360, %and3A_366 : vector<16xi32>
      tpu.vector_store_idx %arg6[%add3A_367], %broadcast_in_dim3A_22 {add = true} : memref<65536xf32, #tpu.memory_space<vmem>>[vector<16xi32>], vector<16xf32>,
      %shift_right_logical3A_368 = arith.constant 16 : i32
      %shift_right_logical3A_369 = vector.broadcast %shift_right_logical3A_368 : i32 to vector<16xi32>
      %shift_right_logical3A_370 = arith.shrui %get3A_358, %shift_right_logical3A_369 : vector<16xi32>
      %and3A_371 = arith.andi %shift_right_logical3A_370, %broadcast_in_dim3A_24 : vector<16xi32>
      %add3A_372 = arith.addi %add3A_360, %and3A_371 : vector<16xi32>
      tpu.vector_store_idx %arg6[%add3A_372], %broadcast_in_dim3A_22 {add = true} : memref<65536xf32, #tpu.memory_space<vmem>>[vector<16xi32>], vector<16xf32>,
      %shift_right_logical3A_373 = arith.constant 23 : i32
      %shift_right_logical3A_374 = vector.broadcast %shift_right_logical3A_373 : i32 to vector<16xi32>
      %shift_right_logical3A_375 = arith.shrui %get3A_358, %shift_right_logical3A_374 : vector<16xi32>
      %add3A_376 = arith.addi %add3A_360, %shift_right_logical3A_375 : vector<16xi32>
      tpu.vector_store_idx %arg6[%add3A_376], %broadcast_in_dim3A_22 {add = true} : memref<65536xf32, #tpu.memory_space<vmem>>[vector<16xi32>], vector<16xf32>,
      %mul3A_377 = arith.constant 80 : i32
      %mul3A_378 = arith.muli %scan3A_299, %mul3A_377 : i32
      %add3A_379 = arith.constant 48 : i32
      %add3A_380 = arith.addi %mul3A_378, %add3A_379 : i32
      %get3A_381 = arith.index_cast %add3A_380 : i32 to index
      %get3A_382 = tpu.vector_load %arg4[%get3A_381] {strides = array<i32>} : memref<1280xi32, #tpu.memory_space<vmem>>, vector<16xi32>,
      %add3A_383 = vector.broadcast %mul3A_306 : i32 to vector<16xi32>
      %add3A_384 = arith.addi %add3A_383, %mul3A_164 : vector<16xi32>
      %and3A_385 = arith.andi %get3A_382, %broadcast_in_dim3A_24 : vector<16xi32>
      %add3A_386 = arith.addi %add3A_384, %and3A_385 : vector<16xi32>
      tpu.vector_store_idx %arg6[%add3A_386], %broadcast_in_dim3A_22 {add = true} : memref<65536xf32, #tpu.memory_space<vmem>>[vector<16xi32>], vector<16xf32>,
      %shift_right_logical3A_387 = arith.constant 7 : i32
      %shift_right_logical3A_388 = vector.broadcast %shift_right_logical3A_387 : i32 to vector<16xi32>
      %shift_right_logical3A_389 = arith.shrui %get3A_382, %shift_right_logical3A_388 : vector<16xi32>
      %and3A_390 = arith.andi %shift_right_logical3A_389, %broadcast_in_dim3A_24 : vector<16xi32>
      %add3A_391 = arith.addi %add3A_384, %and3A_390 : vector<16xi32>
      tpu.vector_store_idx %arg6[%add3A_391], %broadcast_in_dim3A_22 {add = true} : memref<65536xf32, #tpu.memory_space<vmem>>[vector<16xi32>], vector<16xf32>,
      %shift_right_logical3A_392 = arith.constant 16 : i32
      %shift_right_logical3A_393 = vector.broadcast %shift_right_logical3A_392 : i32 to vector<16xi32>
      %shift_right_logical3A_394 = arith.shrui %get3A_382, %shift_right_logical3A_393 : vector<16xi32>
      %and3A_395 = arith.andi %shift_right_logical3A_394, %broadcast_in_dim3A_24 : vector<16xi32>
      %add3A_396 = arith.addi %add3A_384, %and3A_395 : vector<16xi32>
      tpu.vector_store_idx %arg6[%add3A_396], %broadcast_in_dim3A_22 {add = true} : memref<65536xf32, #tpu.memory_space<vmem>>[vector<16xi32>], vector<16xf32>,
      %shift_right_logical3A_397 = arith.constant 23 : i32
      %shift_right_logical3A_398 = vector.broadcast %shift_right_logical3A_397 : i32 to vector<16xi32>
      %shift_right_logical3A_399 = arith.shrui %get3A_382, %shift_right_logical3A_398 : vector<16xi32>
      %add3A_400 = arith.addi %add3A_384, %shift_right_logical3A_399 : vector<16xi32>
      tpu.vector_store_idx %arg6[%add3A_400], %broadcast_in_dim3A_22 {add = true} : memref<65536xf32, #tpu.memory_space<vmem>>[vector<16xi32>], vector<16xf32>,
      %mul3A_401 = arith.constant 80 : i32
      %mul3A_402 = arith.muli %scan3A_299, %mul3A_401 : i32
      %add3A_403 = arith.constant 64 : i32
      %add3A_404 = arith.addi %mul3A_402, %add3A_403 : i32
      %get3A_405 = arith.index_cast %add3A_404 : i32 to index
      %get3A_406 = tpu.vector_load %arg4[%get3A_405] {strides = array<i32>} : memref<1280xi32, #tpu.memory_space<vmem>>, vector<16xi32>,
      %add3A_407 = vector.broadcast %mul3A_306 : i32 to vector<16xi32>
      %add3A_408 = arith.addi %add3A_407, %mul3A_201 : vector<16xi32>
      %and3A_409 = arith.andi %get3A_406, %broadcast_in_dim3A_24 : vector<16xi32>
      %add3A_410 = arith.addi %add3A_408, %and3A_409 : vector<16xi32>
      tpu.vector_store_idx %arg6[%add3A_410], %broadcast_in_dim3A_22 {add = true} : memref<65536xf32, #tpu.memory_space<vmem>>[vector<16xi32>], vector<16xf32>,
      %shift_right_logical3A_411 = arith.constant 7 : i32
      %shift_right_logical3A_412 = vector.broadcast %shift_right_logical3A_411 : i32 to vector<16xi32>
      %shift_right_logical3A_413 = arith.shrui %get3A_406, %shift_right_logical3A_412 : vector<16xi32>
      %and3A_414 = arith.andi %shift_right_logical3A_413, %broadcast_in_dim3A_24 : vector<16xi32>
      %add3A_415 = arith.addi %add3A_408, %and3A_414 : vector<16xi32>
      tpu.vector_store_idx %arg6[%add3A_415], %broadcast_in_dim3A_22 {add = true} : memref<65536xf32, #tpu.memory_space<vmem>>[vector<16xi32>], vector<16xf32>,
      %shift_right_logical3A_416 = arith.constant 16 : i32
      %shift_right_logical3A_417 = vector.broadcast %shift_right_logical3A_416 : i32 to vector<16xi32>
      %shift_right_logical3A_418 = arith.shrui %get3A_406, %shift_right_logical3A_417 : vector<16xi32>
      %and3A_419 = arith.andi %shift_right_logical3A_418, %broadcast_in_dim3A_24 : vector<16xi32>
      %add3A_420 = arith.addi %add3A_408, %and3A_419 : vector<16xi32>
      tpu.vector_store_idx %arg6[%add3A_420], %broadcast_in_dim3A_22 {add = true} : memref<65536xf32, #tpu.memory_space<vmem>>[vector<16xi32>], vector<16xf32>,
      %shift_right_logical3A_421 = arith.constant 23 : i32
      %shift_right_logical3A_422 = vector.broadcast %shift_right_logical3A_421 : i32 to vector<16xi32>
      %shift_right_logical3A_423 = arith.shrui %get3A_406, %shift_right_logical3A_422 : vector<16xi32>
      %add3A_424 = arith.addi %add3A_408, %shift_right_logical3A_423 : vector<16xi32>
      tpu.vector_store_idx %arg6[%add3A_424], %broadcast_in_dim3A_22 {add = true} : memref<65536xf32, #tpu.memory_space<vmem>>[vector<16xi32>], vector<16xf32>,
      %scan3A_425 = arith.constant 0 : i32
      scf.yield %scan3A_425 : i32
    }
    %scan3A_211 = arith.constant 16 : i32
    %add3A_212 = arith.constant 0 : i32
    %add3A_213 = arith.addi %mul3A_2, %add3A_212 : i32
    %dma_start3A_214 = arith.constant 0 : i32
    %dma_start3A_215 = tpu.memref_slice %arg6[%dma_start3A_214] : memref<65536xf32, #tpu.memory_space<vmem>> -> memref<16384xf32, #tpu.memory_space<vmem>>
    %dma_start3A_216 = tpu.memref_slice %arg3[%add3A_213] : memref<2097152xf32, #tpu.memory_space<hbm>> -> memref<16384xf32, #tpu.memory_space<hbm>>
    %dma_start3A_217 = tpu.memref_slice %arg3[%add3A_213] : memref<2097152xf32, #tpu.memory_space<hbm>> -> memref<16384xf32, #tpu.memory_space<hbm>>
    %dma_start3A_218 = arith.constant 0 : i32
    %dma_start3A_219 = tpu.memref_slice %arg6[%dma_start3A_218] : memref<65536xf32, #tpu.memory_space<vmem>> -> memref<16384xf32, #tpu.memory_space<vmem>>
    tpu.enqueue_dma source(%dma_start3A_219 : memref<16384xf32, #tpu.memory_space<vmem>>) target(%dma_start3A_217 : memref<16384xf32, #tpu.memory_space<hbm>>) target_semaphore(%arg9 : memref<!tpu.dma_semaphore, #tpu.memory_space<semaphore_mem>>)
    %dma_wait3A_220 = tpu.memref_slice %arg2[%add3A_8] : memref<163840xi32, #tpu.memory_space<hbm>> -> memref<1280xi32, #tpu.memory_space<hbm>>
    %dma_wait3A_221 = tpu.memref_slice %arg2[%add3A_8] : memref<163840xi32, #tpu.memory_space<hbm>> -> memref<1280xi32, #tpu.memory_space<hbm>>
    tpu.wait_dma2 semaphore(%arg8 : memref<!tpu.dma_semaphore, #tpu.memory_space<semaphore_mem>>) src(%dma_wait3A_221 : memref<1280xi32, #tpu.memory_space<hbm>>) dst(%arg5 : memref<1280xi32, #tpu.memory_space<vmem>>)
    %dma_start3A_222 = tpu.memref_slice %arg2[%add3A_10] : memref<163840xi32, #tpu.memory_space<hbm>> -> memref<1280xi32, #tpu.memory_space<hbm>>
    %dma_start3A_223 = tpu.memref_slice %arg2[%add3A_10] : memref<163840xi32, #tpu.memory_space<hbm>> -> memref<1280xi32, #tpu.memory_space<hbm>>
    tpu.enqueue_dma source(%dma_start3A_223 : memref<1280xi32, #tpu.memory_space<hbm>>) target(%arg4 : memref<1280xi32, #tpu.memory_space<vmem>>) target_semaphore(%arg7 : memref<!tpu.dma_semaphore, #tpu.memory_space<semaphore_mem>>)
    %scan3A_224 = arith.constant 0 : i32
    %scan3A_225 = arith.constant 0 : i32
    %scan3A_226 = arith.constant 16 : i32
    %scan3A_227 = arith.addi %scan3A_225, %scan3A_226 : i32
    %scan3A_228 = arith.constant 1 : i32
    %scan3A_229 = scf.for %scan3A_299 = %scan3A_225 to %scan3A_227 step %scan3A_228 iter_args(%scan3A_300 = %scan3A_224) -> (i32)  : i32 {
      %mul3A_301 = arith.constant 8 : i32
      %mul3A_302 = arith.muli %scan3A_299, %mul3A_301 : i32
      %add3A_303 = arith.constant 128 : i32
      %add3A_304 = arith.addi %add3A_303, %mul3A_302 : i32
      %mul3A_305 = arith.constant 128 : i32
      %mul3A_306 = arith.muli %add3A_304, %mul3A_305 : i32
      %mul3A_307 = arith.constant 80 : i32
      %mul3A_308 = arith.muli %scan3A_299, %mul3A_307 : i32
      %add3A_309 = arith.constant 0 : i32
      %add3A_310 = arith.addi %mul3A_308, %add3A_309 : i32
      %get3A = arith.index_cast %add3A_310 : i32 to index
      %get3A_311 = tpu.vector_load %arg5[%get3A] {strides = array<i32>} : memref<1280xi32, #tpu.memory_space<vmem>>, vector<16xi32>,
      %add3A_312 = vector.broadcast %mul3A_306 : i32 to vector<16xi32>
      %add3A_313 = arith.addi %add3A_312, %mul3A_53 : vector<16xi32>
      %and3A_314 = arith.andi %get3A_311, %broadcast_in_dim3A_24 : vector<16xi32>
      %add3A_315 = arith.addi %add3A_313, %and3A_314 : vector<16xi32>
      tpu.vector_store_idx %arg6[%add3A_315], %broadcast_in_dim3A_22 {add = true} : memref<65536xf32, #tpu.memory_space<vmem>>[vector<16xi32>], vector<16xf32>,
      %shift_right_logical3A = arith.constant 7 : i32
      %shift_right_logical3A_316 = vector.broadcast %shift_right_logical3A : i32 to vector<16xi32>
      %shift_right_logical3A_317 = arith.shrui %get3A_311, %shift_right_logical3A_316 : vector<16xi32>
      %and3A_318 = arith.andi %shift_right_logical3A_317, %broadcast_in_dim3A_24 : vector<16xi32>
      %add3A_319 = arith.addi %add3A_313, %and3A_318 : vector<16xi32>
      tpu.vector_store_idx %arg6[%add3A_319], %broadcast_in_dim3A_22 {add = true} : memref<65536xf32, #tpu.memory_space<vmem>>[vector<16xi32>], vector<16xf32>,
      %shift_right_logical3A_320 = arith.constant 16 : i32
      %shift_right_logical3A_321 = vector.broadcast %shift_right_logical3A_320 : i32 to vector<16xi32>
      %shift_right_logical3A_322 = arith.shrui %get3A_311, %shift_right_logical3A_321 : vector<16xi32>
      %and3A_323 = arith.andi %shift_right_logical3A_322, %broadcast_in_dim3A_24 : vector<16xi32>
      %add3A_324 = arith.addi %add3A_313, %and3A_323 : vector<16xi32>
      tpu.vector_store_idx %arg6[%add3A_324], %broadcast_in_dim3A_22 {add = true} : memref<65536xf32, #tpu.memory_space<vmem>>[vector<16xi32>], vector<16xf32>,
      %shift_right_logical3A_325 = arith.constant 23 : i32
      %shift_right_logical3A_326 = vector.broadcast %shift_right_logical3A_325 : i32 to vector<16xi32>
      %shift_right_logical3A_327 = arith.shrui %get3A_311, %shift_right_logical3A_326 : vector<16xi32>
      %add3A_328 = arith.addi %add3A_313, %shift_right_logical3A_327 : vector<16xi32>
      tpu.vector_store_idx %arg6[%add3A_328], %broadcast_in_dim3A_22 {add = true} : memref<65536xf32, #tpu.memory_space<vmem>>[vector<16xi32>], vector<16xf32>,
      %mul3A_329 = arith.constant 80 : i32
      %mul3A_330 = arith.muli %scan3A_299, %mul3A_329 : i32
      %add3A_331 = arith.constant 16 : i32
      %add3A_332 = arith.addi %mul3A_330, %add3A_331 : i32
      %get3A_333 = arith.index_cast %add3A_332 : i32 to index
      %get3A_334 = tpu.vector_load %arg5[%get3A_333] {strides = array<i32>} : memref<1280xi32, #tpu.memory_space<vmem>>, vector<16xi32>,
      %add3A_335 = vector.broadcast %mul3A_306 : i32 to vector<16xi32>
      %add3A_336 = arith.addi %add3A_335, %mul3A_90 : vector<16xi32>
      %and3A_337 = arith.andi %get3A_334, %broadcast_in_dim3A_24 : vector<16xi32>
      %add3A_338 = arith.addi %add3A_336, %and3A_337 : vector<16xi32>
      tpu.vector_store_idx %arg6[%add3A_338], %broadcast_in_dim3A_22 {add = true} : memref<65536xf32, #tpu.memory_space<vmem>>[vector<16xi32>], vector<16xf32>,
      %shift_right_logical3A_339 = arith.constant 7 : i32
      %shift_right_logical3A_340 = vector.broadcast %shift_right_logical3A_339 : i32 to vector<16xi32>
      %shift_right_logical3A_341 = arith.shrui %get3A_334, %shift_right_logical3A_340 : vector<16xi32>
      %and3A_342 = arith.andi %shift_right_logical3A_341, %broadcast_in_dim3A_24 : vector<16xi32>
      %add3A_343 = arith.addi %add3A_336, %and3A_342 : vector<16xi32>
      tpu.vector_store_idx %arg6[%add3A_343], %broadcast_in_dim3A_22 {add = true} : memref<65536xf32, #tpu.memory_space<vmem>>[vector<16xi32>], vector<16xf32>,
      %shift_right_logical3A_344 = arith.constant 16 : i32
      %shift_right_logical3A_345 = vector.broadcast %shift_right_logical3A_344 : i32 to vector<16xi32>
      %shift_right_logical3A_346 = arith.shrui %get3A_334, %shift_right_logical3A_345 : vector<16xi32>
      %and3A_347 = arith.andi %shift_right_logical3A_346, %broadcast_in_dim3A_24 : vector<16xi32>
      %add3A_348 = arith.addi %add3A_336, %and3A_347 : vector<16xi32>
      tpu.vector_store_idx %arg6[%add3A_348], %broadcast_in_dim3A_22 {add = true} : memref<65536xf32, #tpu.memory_space<vmem>>[vector<16xi32>], vector<16xf32>,
      %shift_right_logical3A_349 = arith.constant 23 : i32
      %shift_right_logical3A_350 = vector.broadcast %shift_right_logical3A_349 : i32 to vector<16xi32>
      %shift_right_logical3A_351 = arith.shrui %get3A_334, %shift_right_logical3A_350 : vector<16xi32>
      %add3A_352 = arith.addi %add3A_336, %shift_right_logical3A_351 : vector<16xi32>
      tpu.vector_store_idx %arg6[%add3A_352], %broadcast_in_dim3A_22 {add = true} : memref<65536xf32, #tpu.memory_space<vmem>>[vector<16xi32>], vector<16xf32>,
      %mul3A_353 = arith.constant 80 : i32
      %mul3A_354 = arith.muli %scan3A_299, %mul3A_353 : i32
      %add3A_355 = arith.constant 32 : i32
      %add3A_356 = arith.addi %mul3A_354, %add3A_355 : i32
      %get3A_357 = arith.index_cast %add3A_356 : i32 to index
      %get3A_358 = tpu.vector_load %arg5[%get3A_357] {strides = array<i32>} : memref<1280xi32, #tpu.memory_space<vmem>>, vector<16xi32>,
      %add3A_359 = vector.broadcast %mul3A_306 : i32 to vector<16xi32>
      %add3A_360 = arith.addi %add3A_359, %mul3A_127 : vector<16xi32>
      %and3A_361 = arith.andi %get3A_358, %broadcast_in_dim3A_24 : vector<16xi32>
      %add3A_362 = arith.addi %add3A_360, %and3A_361 : vector<16xi32>
      tpu.vector_store_idx %arg6[%add3A_362], %broadcast_in_dim3A_22 {add = true} : memref<65536xf32, #tpu.memory_space<vmem>>[vector<16xi32>], vector<16xf32>,
      %shift_right_logical3A_363 = arith.constant 7 : i32
      %shift_right_logical3A_364 = vector.broadcast %shift_right_logical3A_363 : i32 to vector<16xi32>
      %shift_right_logical3A_365 = arith.shrui %get3A_358, %shift_right_logical3A_364 : vector<16xi32>
      %and3A_366 = arith.andi %shift_right_logical3A_365, %broadcast_in_dim3A_24 : vector<16xi32>
      %add3A_367 = arith.addi %add3A_360, %and3A_366 : vector<16xi32>
      tpu.vector_store_idx %arg6[%add3A_367], %broadcast_in_dim3A_22 {add = true} : memref<65536xf32, #tpu.memory_space<vmem>>[vector<16xi32>], vector<16xf32>,
      %shift_right_logical3A_368 = arith.constant 16 : i32
      %shift_right_logical3A_369 = vector.broadcast %shift_right_logical3A_368 : i32 to vector<16xi32>
      %shift_right_logical3A_370 = arith.shrui %get3A_358, %shift_right_logical3A_369 : vector<16xi32>
      %and3A_371 = arith.andi %shift_right_logical3A_370, %broadcast_in_dim3A_24 : vector<16xi32>
      %add3A_372 = arith.addi %add3A_360, %and3A_371 : vector<16xi32>
      tpu.vector_store_idx %arg6[%add3A_372], %broadcast_in_dim3A_22 {add = true} : memref<65536xf32, #tpu.memory_space<vmem>>[vector<16xi32>], vector<16xf32>,
      %shift_right_logical3A_373 = arith.constant 23 : i32
      %shift_right_logical3A_374 = vector.broadcast %shift_right_logical3A_373 : i32 to vector<16xi32>
      %shift_right_logical3A_375 = arith.shrui %get3A_358, %shift_right_logical3A_374 : vector<16xi32>
      %add3A_376 = arith.addi %add3A_360, %shift_right_logical3A_375 : vector<16xi32>
      tpu.vector_store_idx %arg6[%add3A_376], %broadcast_in_dim3A_22 {add = true} : memref<65536xf32, #tpu.memory_space<vmem>>[vector<16xi32>], vector<16xf32>,
      %mul3A_377 = arith.constant 80 : i32
      %mul3A_378 = arith.muli %scan3A_299, %mul3A_377 : i32
      %add3A_379 = arith.constant 48 : i32
      %add3A_380 = arith.addi %mul3A_378, %add3A_379 : i32
      %get3A_381 = arith.index_cast %add3A_380 : i32 to index
      %get3A_382 = tpu.vector_load %arg5[%get3A_381] {strides = array<i32>} : memref<1280xi32, #tpu.memory_space<vmem>>, vector<16xi32>,
      %add3A_383 = vector.broadcast %mul3A_306 : i32 to vector<16xi32>
      %add3A_384 = arith.addi %add3A_383, %mul3A_164 : vector<16xi32>
      %and3A_385 = arith.andi %get3A_382, %broadcast_in_dim3A_24 : vector<16xi32>
      %add3A_386 = arith.addi %add3A_384, %and3A_385 : vector<16xi32>
      tpu.vector_store_idx %arg6[%add3A_386], %broadcast_in_dim3A_22 {add = true} : memref<65536xf32, #tpu.memory_space<vmem>>[vector<16xi32>], vector<16xf32>,
      %shift_right_logical3A_387 = arith.constant 7 : i32
      %shift_right_logical3A_388 = vector.broadcast %shift_right_logical3A_387 : i32 to vector<16xi32>
      %shift_right_logical3A_389 = arith.shrui %get3A_382, %shift_right_logical3A_388 : vector<16xi32>
      %and3A_390 = arith.andi %shift_right_logical3A_389, %broadcast_in_dim3A_24 : vector<16xi32>
      %add3A_391 = arith.addi %add3A_384, %and3A_390 : vector<16xi32>
      tpu.vector_store_idx %arg6[%add3A_391], %broadcast_in_dim3A_22 {add = true} : memref<65536xf32, #tpu.memory_space<vmem>>[vector<16xi32>], vector<16xf32>,
      %shift_right_logical3A_392 = arith.constant 16 : i32
      %shift_right_logical3A_393 = vector.broadcast %shift_right_logical3A_392 : i32 to vector<16xi32>
      %shift_right_logical3A_394 = arith.shrui %get3A_382, %shift_right_logical3A_393 : vector<16xi32>
      %and3A_395 = arith.andi %shift_right_logical3A_394, %broadcast_in_dim3A_24 : vector<16xi32>
      %add3A_396 = arith.addi %add3A_384, %and3A_395 : vector<16xi32>
      tpu.vector_store_idx %arg6[%add3A_396], %broadcast_in_dim3A_22 {add = true} : memref<65536xf32, #tpu.memory_space<vmem>>[vector<16xi32>], vector<16xf32>,
      %shift_right_logical3A_397 = arith.constant 23 : i32
      %shift_right_logical3A_398 = vector.broadcast %shift_right_logical3A_397 : i32 to vector<16xi32>
      %shift_right_logical3A_399 = arith.shrui %get3A_382, %shift_right_logical3A_398 : vector<16xi32>
      %add3A_400 = arith.addi %add3A_384, %shift_right_logical3A_399 : vector<16xi32>
      tpu.vector_store_idx %arg6[%add3A_400], %broadcast_in_dim3A_22 {add = true} : memref<65536xf32, #tpu.memory_space<vmem>>[vector<16xi32>], vector<16xf32>,
      %mul3A_401 = arith.constant 80 : i32
      %mul3A_402 = arith.muli %scan3A_299, %mul3A_401 : i32
      %add3A_403 = arith.constant 64 : i32
      %add3A_404 = arith.addi %mul3A_402, %add3A_403 : i32
      %get3A_405 = arith.index_cast %add3A_404 : i32 to index
      %get3A_406 = tpu.vector_load %arg5[%get3A_405] {strides = array<i32>} : memref<1280xi32, #tpu.memory_space<vmem>>, vector<16xi32>,
      %add3A_407 = vector.broadcast %mul3A_306 : i32 to vector<16xi32>
      %add3A_408 = arith.addi %add3A_407, %mul3A_201 : vector<16xi32>
      %and3A_409 = arith.andi %get3A_406, %broadcast_in_dim3A_24 : vector<16xi32>
      %add3A_410 = arith.addi %add3A_408, %and3A_409 : vector<16xi32>
      tpu.vector_store_idx %arg6[%add3A_410], %broadcast_in_dim3A_22 {add = true} : memref<65536xf32, #tpu.memory_space<vmem>>[vector<16xi32>], vector<16xf32>,
      %shift_right_logical3A_411 = arith.constant 7 : i32
      %shift_right_logical3A_412 = vector.broadcast %shift_right_logical3A_411 : i32 to vector<16xi32>
      %shift_right_logical3A_413 = arith.shrui %get3A_406, %shift_right_logical3A_412 : vector<16xi32>
      %and3A_414 = arith.andi %shift_right_logical3A_413, %broadcast_in_dim3A_24 : vector<16xi32>
      %add3A_415 = arith.addi %add3A_408, %and3A_414 : vector<16xi32>
      tpu.vector_store_idx %arg6[%add3A_415], %broadcast_in_dim3A_22 {add = true} : memref<65536xf32, #tpu.memory_space<vmem>>[vector<16xi32>], vector<16xf32>,
      %shift_right_logical3A_416 = arith.constant 16 : i32
      %shift_right_logical3A_417 = vector.broadcast %shift_right_logical3A_416 : i32 to vector<16xi32>
      %shift_right_logical3A_418 = arith.shrui %get3A_406, %shift_right_logical3A_417 : vector<16xi32>
      %and3A_419 = arith.andi %shift_right_logical3A_418, %broadcast_in_dim3A_24 : vector<16xi32>
      %add3A_420 = arith.addi %add3A_408, %and3A_419 : vector<16xi32>
      tpu.vector_store_idx %arg6[%add3A_420], %broadcast_in_dim3A_22 {add = true} : memref<65536xf32, #tpu.memory_space<vmem>>[vector<16xi32>], vector<16xf32>,
      %shift_right_logical3A_421 = arith.constant 23 : i32
      %shift_right_logical3A_422 = vector.broadcast %shift_right_logical3A_421 : i32 to vector<16xi32>
      %shift_right_logical3A_423 = arith.shrui %get3A_406, %shift_right_logical3A_422 : vector<16xi32>
      %add3A_424 = arith.addi %add3A_408, %shift_right_logical3A_423 : vector<16xi32>
      tpu.vector_store_idx %arg6[%add3A_424], %broadcast_in_dim3A_22 {add = true} : memref<65536xf32, #tpu.memory_space<vmem>>[vector<16xi32>], vector<16xf32>,
      %scan3A_425 = arith.constant 0 : i32
      scf.yield %scan3A_425 : i32
    }
    %scan3A_230 = arith.constant 16 : i32
    %add3A_231 = arith.constant 16384 : i32
    %add3A_232 = arith.addi %mul3A_2, %add3A_231 : i32
    %dma_start3A_233 = arith.constant 16384 : i32
    %dma_start3A_234 = tpu.memref_slice %arg6[%dma_start3A_233] : memref<65536xf32, #tpu.memory_space<vmem>> -> memref<16384xf32, #tpu.memory_space<vmem>>
    %dma_start3A_235 = tpu.memref_slice %arg3[%add3A_232] : memref<2097152xf32, #tpu.memory_space<hbm>> -> memref<16384xf32, #tpu.memory_space<hbm>>
    %dma_start3A_236 = tpu.memref_slice %arg3[%add3A_232] : memref<2097152xf32, #tpu.memory_space<hbm>> -> memref<16384xf32, #tpu.memory_space<hbm>>
    %dma_start3A_237 = arith.constant 16384 : i32
    %dma_start3A_238 = tpu.memref_slice %arg6[%dma_start3A_237] : memref<65536xf32, #tpu.memory_space<vmem>> -> memref<16384xf32, #tpu.memory_space<vmem>>
    tpu.enqueue_dma source(%dma_start3A_238 : memref<16384xf32, #tpu.memory_space<vmem>>) target(%dma_start3A_236 : memref<16384xf32, #tpu.memory_space<hbm>>) target_semaphore(%arg9 : memref<!tpu.dma_semaphore, #tpu.memory_space<semaphore_mem>>)
    %dma_wait3A_239 = tpu.memref_slice %arg2[%add3A_10] : memref<163840xi32, #tpu.memory_space<hbm>> -> memref<1280xi32, #tpu.memory_space<hbm>>
    %dma_wait3A_240 = tpu.memref_slice %arg2[%add3A_10] : memref<163840xi32, #tpu.memory_space<hbm>> -> memref<1280xi32, #tpu.memory_space<hbm>>
    tpu.wait_dma2 semaphore(%arg7 : memref<!tpu.dma_semaphore, #tpu.memory_space<semaphore_mem>>) src(%dma_wait3A_240 : memref<1280xi32, #tpu.memory_space<hbm>>) dst(%arg4 : memref<1280xi32, #tpu.memory_space<vmem>>)
    %dma_start3A_241 = tpu.memref_slice %arg2[%add3A_12] : memref<163840xi32, #tpu.memory_space<hbm>> -> memref<1280xi32, #tpu.memory_space<hbm>>
    %dma_start3A_242 = tpu.memref_slice %arg2[%add3A_12] : memref<163840xi32, #tpu.memory_space<hbm>> -> memref<1280xi32, #tpu.memory_space<hbm>>
    tpu.enqueue_dma source(%dma_start3A_242 : memref<1280xi32, #tpu.memory_space<hbm>>) target(%arg5 : memref<1280xi32, #tpu.memory_space<vmem>>) target_semaphore(%arg8 : memref<!tpu.dma_semaphore, #tpu.memory_space<semaphore_mem>>)
    %scan3A_243 = arith.constant 0 : i32
    %scan3A_244 = arith.constant 0 : i32
    %scan3A_245 = arith.constant 16 : i32
    %scan3A_246 = arith.addi %scan3A_244, %scan3A_245 : i32
    %scan3A_247 = arith.constant 1 : i32
    %scan3A_248 = scf.for %scan3A_299 = %scan3A_244 to %scan3A_246 step %scan3A_247 iter_args(%scan3A_300 = %scan3A_243) -> (i32)  : i32 {
      %mul3A_301 = arith.constant 8 : i32
      %mul3A_302 = arith.muli %scan3A_299, %mul3A_301 : i32
      %add3A_303 = arith.constant 256 : i32
      %add3A_304 = arith.addi %add3A_303, %mul3A_302 : i32
      %mul3A_305 = arith.constant 128 : i32
      %mul3A_306 = arith.muli %add3A_304, %mul3A_305 : i32
      %mul3A_307 = arith.constant 80 : i32
      %mul3A_308 = arith.muli %scan3A_299, %mul3A_307 : i32
      %add3A_309 = arith.constant 0 : i32
      %add3A_310 = arith.addi %mul3A_308, %add3A_309 : i32
      %get3A = arith.index_cast %add3A_310 : i32 to index
      %get3A_311 = tpu.vector_load %arg4[%get3A] {strides = array<i32>} : memref<1280xi32, #tpu.memory_space<vmem>>, vector<16xi32>,
      %add3A_312 = vector.broadcast %mul3A_306 : i32 to vector<16xi32>
      %add3A_313 = arith.addi %add3A_312, %mul3A_53 : vector<16xi32>
      %and3A_314 = arith.andi %get3A_311, %broadcast_in_dim3A_24 : vector<16xi32>
      %add3A_315 = arith.addi %add3A_313, %and3A_314 : vector<16xi32>
      tpu.vector_store_idx %arg6[%add3A_315], %broadcast_in_dim3A_22 {add = true} : memref<65536xf32, #tpu.memory_space<vmem>>[vector<16xi32>], vector<16xf32>,
      %shift_right_logical3A = arith.constant 7 : i32
      %shift_right_logical3A_316 = vector.broadcast %shift_right_logical3A : i32 to vector<16xi32>
      %shift_right_logical3A_317 = arith.shrui %get3A_311, %shift_right_logical3A_316 : vector<16xi32>
      %and3A_318 = arith.andi %shift_right_logical3A_317, %broadcast_in_dim3A_24 : vector<16xi32>
      %add3A_319 = arith.addi %add3A_313, %and3A_318 : vector<16xi32>
      tpu.vector_store_idx %arg6[%add3A_319], %broadcast_in_dim3A_22 {add = true} : memref<65536xf32, #tpu.memory_space<vmem>>[vector<16xi32>], vector<16xf32>,
      %shift_right_logical3A_320 = arith.constant 16 : i32
      %shift_right_logical3A_321 = vector.broadcast %shift_right_logical3A_320 : i32 to vector<16xi32>
      %shift_right_logical3A_322 = arith.shrui %get3A_311, %shift_right_logical3A_321 : vector<16xi32>
      %and3A_323 = arith.andi %shift_right_logical3A_322, %broadcast_in_dim3A_24 : vector<16xi32>
      %add3A_324 = arith.addi %add3A_313, %and3A_323 : vector<16xi32>
      tpu.vector_store_idx %arg6[%add3A_324], %broadcast_in_dim3A_22 {add = true} : memref<65536xf32, #tpu.memory_space<vmem>>[vector<16xi32>], vector<16xf32>,
      %shift_right_logical3A_325 = arith.constant 23 : i32
      %shift_right_logical3A_326 = vector.broadcast %shift_right_logical3A_325 : i32 to vector<16xi32>
      %shift_right_logical3A_327 = arith.shrui %get3A_311, %shift_right_logical3A_326 : vector<16xi32>
      %add3A_328 = arith.addi %add3A_313, %shift_right_logical3A_327 : vector<16xi32>
      tpu.vector_store_idx %arg6[%add3A_328], %broadcast_in_dim3A_22 {add = true} : memref<65536xf32, #tpu.memory_space<vmem>>[vector<16xi32>], vector<16xf32>,
      %mul3A_329 = arith.constant 80 : i32
      %mul3A_330 = arith.muli %scan3A_299, %mul3A_329 : i32
      %add3A_331 = arith.constant 16 : i32
      %add3A_332 = arith.addi %mul3A_330, %add3A_331 : i32
      %get3A_333 = arith.index_cast %add3A_332 : i32 to index
      %get3A_334 = tpu.vector_load %arg4[%get3A_333] {strides = array<i32>} : memref<1280xi32, #tpu.memory_space<vmem>>, vector<16xi32>,
      %add3A_335 = vector.broadcast %mul3A_306 : i32 to vector<16xi32>
      %add3A_336 = arith.addi %add3A_335, %mul3A_90 : vector<16xi32>
      %and3A_337 = arith.andi %get3A_334, %broadcast_in_dim3A_24 : vector<16xi32>
      %add3A_338 = arith.addi %add3A_336, %and3A_337 : vector<16xi32>
      tpu.vector_store_idx %arg6[%add3A_338], %broadcast_in_dim3A_22 {add = true} : memref<65536xf32, #tpu.memory_space<vmem>>[vector<16xi32>], vector<16xf32>,
      %shift_right_logical3A_339 = arith.constant 7 : i32
      %shift_right_logical3A_340 = vector.broadcast %shift_right_logical3A_339 : i32 to vector<16xi32>
      %shift_right_logical3A_341 = arith.shrui %get3A_334, %shift_right_logical3A_340 : vector<16xi32>
      %and3A_342 = arith.andi %shift_right_logical3A_341, %broadcast_in_dim3A_24 : vector<16xi32>
      %add3A_343 = arith.addi %add3A_336, %and3A_342 : vector<16xi32>
      tpu.vector_store_idx %arg6[%add3A_343], %broadcast_in_dim3A_22 {add = true} : memref<65536xf32, #tpu.memory_space<vmem>>[vector<16xi32>], vector<16xf32>,
      %shift_right_logical3A_344 = arith.constant 16 : i32
      %shift_right_logical3A_345 = vector.broadcast %shift_right_logical3A_344 : i32 to vector<16xi32>
      %shift_right_logical3A_346 = arith.shrui %get3A_334, %shift_right_logical3A_345 : vector<16xi32>
      %and3A_347 = arith.andi %shift_right_logical3A_346, %broadcast_in_dim3A_24 : vector<16xi32>
      %add3A_348 = arith.addi %add3A_336, %and3A_347 : vector<16xi32>
      tpu.vector_store_idx %arg6[%add3A_348], %broadcast_in_dim3A_22 {add = true} : memref<65536xf32, #tpu.memory_space<vmem>>[vector<16xi32>], vector<16xf32>,
      %shift_right_logical3A_349 = arith.constant 23 : i32
      %shift_right_logical3A_350 = vector.broadcast %shift_right_logical3A_349 : i32 to vector<16xi32>
      %shift_right_logical3A_351 = arith.shrui %get3A_334, %shift_right_logical3A_350 : vector<16xi32>
      %add3A_352 = arith.addi %add3A_336, %shift_right_logical3A_351 : vector<16xi32>
      tpu.vector_store_idx %arg6[%add3A_352], %broadcast_in_dim3A_22 {add = true} : memref<65536xf32, #tpu.memory_space<vmem>>[vector<16xi32>], vector<16xf32>,
      %mul3A_353 = arith.constant 80 : i32
      %mul3A_354 = arith.muli %scan3A_299, %mul3A_353 : i32
      %add3A_355 = arith.constant 32 : i32
      %add3A_356 = arith.addi %mul3A_354, %add3A_355 : i32
      %get3A_357 = arith.index_cast %add3A_356 : i32 to index
      %get3A_358 = tpu.vector_load %arg4[%get3A_357] {strides = array<i32>} : memref<1280xi32, #tpu.memory_space<vmem>>, vector<16xi32>,
      %add3A_359 = vector.broadcast %mul3A_306 : i32 to vector<16xi32>
      %add3A_360 = arith.addi %add3A_359, %mul3A_127 : vector<16xi32>
      %and3A_361 = arith.andi %get3A_358, %broadcast_in_dim3A_24 : vector<16xi32>
      %add3A_362 = arith.addi %add3A_360, %and3A_361 : vector<16xi32>
      tpu.vector_store_idx %arg6[%add3A_362], %broadcast_in_dim3A_22 {add = true} : memref<65536xf32, #tpu.memory_space<vmem>>[vector<16xi32>], vector<16xf32>,
      %shift_right_logical3A_363 = arith.constant 7 : i32
      %shift_right_logical3A_364 = vector.broadcast %shift_right_logical3A_363 : i32 to vector<16xi32>
      %shift_right_logical3A_365 = arith.shrui %get3A_358, %shift_right_logical3A_364 : vector<16xi32>
      %and3A_366 = arith.andi %shift_right_logical3A_365, %broadcast_in_dim3A_24 : vector<16xi32>
      %add3A_367 = arith.addi %add3A_360, %and3A_366 : vector<16xi32>
      tpu.vector_store_idx %arg6[%add3A_367], %broadcast_in_dim3A_22 {add = true} : memref<65536xf32, #tpu.memory_space<vmem>>[vector<16xi32>], vector<16xf32>,
      %shift_right_logical3A_368 = arith.constant 16 : i32
      %shift_right_logical3A_369 = vector.broadcast %shift_right_logical3A_368 : i32 to vector<16xi32>
      %shift_right_logical3A_370 = arith.shrui %get3A_358, %shift_right_logical3A_369 : vector<16xi32>
      %and3A_371 = arith.andi %shift_right_logical3A_370, %broadcast_in_dim3A_24 : vector<16xi32>
      %add3A_372 = arith.addi %add3A_360, %and3A_371 : vector<16xi32>
      tpu.vector_store_idx %arg6[%add3A_372], %broadcast_in_dim3A_22 {add = true} : memref<65536xf32, #tpu.memory_space<vmem>>[vector<16xi32>], vector<16xf32>,
      %shift_right_logical3A_373 = arith.constant 23 : i32
      %shift_right_logical3A_374 = vector.broadcast %shift_right_logical3A_373 : i32 to vector<16xi32>
      %shift_right_logical3A_375 = arith.shrui %get3A_358, %shift_right_logical3A_374 : vector<16xi32>
      %add3A_376 = arith.addi %add3A_360, %shift_right_logical3A_375 : vector<16xi32>
      tpu.vector_store_idx %arg6[%add3A_376], %broadcast_in_dim3A_22 {add = true} : memref<65536xf32, #tpu.memory_space<vmem>>[vector<16xi32>], vector<16xf32>,
      %mul3A_377 = arith.constant 80 : i32
      %mul3A_378 = arith.muli %scan3A_299, %mul3A_377 : i32
      %add3A_379 = arith.constant 48 : i32
      %add3A_380 = arith.addi %mul3A_378, %add3A_379 : i32
      %get3A_381 = arith.index_cast %add3A_380 : i32 to index
      %get3A_382 = tpu.vector_load %arg4[%get3A_381] {strides = array<i32>} : memref<1280xi32, #tpu.memory_space<vmem>>, vector<16xi32>,
      %add3A_383 = vector.broadcast %mul3A_306 : i32 to vector<16xi32>
      %add3A_384 = arith.addi %add3A_383, %mul3A_164 : vector<16xi32>
      %and3A_385 = arith.andi %get3A_382, %broadcast_in_dim3A_24 : vector<16xi32>
      %add3A_386 = arith.addi %add3A_384, %and3A_385 : vector<16xi32>
      tpu.vector_store_idx %arg6[%add3A_386], %broadcast_in_dim3A_22 {add = true} : memref<65536xf32, #tpu.memory_space<vmem>>[vector<16xi32>], vector<16xf32>,
      %shift_right_logical3A_387 = arith.constant 7 : i32
      %shift_right_logical3A_388 = vector.broadcast %shift_right_logical3A_387 : i32 to vector<16xi32>
      %shift_right_logical3A_389 = arith.shrui %get3A_382, %shift_right_logical3A_388 : vector<16xi32>
      %and3A_390 = arith.andi %shift_right_logical3A_389, %broadcast_in_dim3A_24 : vector<16xi32>
      %add3A_391 = arith.addi %add3A_384, %and3A_390 : vector<16xi32>
      tpu.vector_store_idx %arg6[%add3A_391], %broadcast_in_dim3A_22 {add = true} : memref<65536xf32, #tpu.memory_space<vmem>>[vector<16xi32>], vector<16xf32>,
      %shift_right_logical3A_392 = arith.constant 16 : i32
      %shift_right_logical3A_393 = vector.broadcast %shift_right_logical3A_392 : i32 to vector<16xi32>
      %shift_right_logical3A_394 = arith.shrui %get3A_382, %shift_right_logical3A_393 : vector<16xi32>
      %and3A_395 = arith.andi %shift_right_logical3A_394, %broadcast_in_dim3A_24 : vector<16xi32>
      %add3A_396 = arith.addi %add3A_384, %and3A_395 : vector<16xi32>
      tpu.vector_store_idx %arg6[%add3A_396], %broadcast_in_dim3A_22 {add = true} : memref<65536xf32, #tpu.memory_space<vmem>>[vector<16xi32>], vector<16xf32>,
      %shift_right_logical3A_397 = arith.constant 23 : i32
      %shift_right_logical3A_398 = vector.broadcast %shift_right_logical3A_397 : i32 to vector<16xi32>
      %shift_right_logical3A_399 = arith.shrui %get3A_382, %shift_right_logical3A_398 : vector<16xi32>
      %add3A_400 = arith.addi %add3A_384, %shift_right_logical3A_399 : vector<16xi32>
      tpu.vector_store_idx %arg6[%add3A_400], %broadcast_in_dim3A_22 {add = true} : memref<65536xf32, #tpu.memory_space<vmem>>[vector<16xi32>], vector<16xf32>,
      %mul3A_401 = arith.constant 80 : i32
      %mul3A_402 = arith.muli %scan3A_299, %mul3A_401 : i32
      %add3A_403 = arith.constant 64 : i32
      %add3A_404 = arith.addi %mul3A_402, %add3A_403 : i32
      %get3A_405 = arith.index_cast %add3A_404 : i32 to index
      %get3A_406 = tpu.vector_load %arg4[%get3A_405] {strides = array<i32>} : memref<1280xi32, #tpu.memory_space<vmem>>, vector<16xi32>,
      %add3A_407 = vector.broadcast %mul3A_306 : i32 to vector<16xi32>
      %add3A_408 = arith.addi %add3A_407, %mul3A_201 : vector<16xi32>
      %and3A_409 = arith.andi %get3A_406, %broadcast_in_dim3A_24 : vector<16xi32>
      %add3A_410 = arith.addi %add3A_408, %and3A_409 : vector<16xi32>
      tpu.vector_store_idx %arg6[%add3A_410], %broadcast_in_dim3A_22 {add = true} : memref<65536xf32, #tpu.memory_space<vmem>>[vector<16xi32>], vector<16xf32>,
      %shift_right_logical3A_411 = arith.constant 7 : i32
      %shift_right_logical3A_412 = vector.broadcast %shift_right_logical3A_411 : i32 to vector<16xi32>
      %shift_right_logical3A_413 = arith.shrui %get3A_406, %shift_right_logical3A_412 : vector<16xi32>
      %and3A_414 = arith.andi %shift_right_logical3A_413, %broadcast_in_dim3A_24 : vector<16xi32>
      %add3A_415 = arith.addi %add3A_408, %and3A_414 : vector<16xi32>
      tpu.vector_store_idx %arg6[%add3A_415], %broadcast_in_dim3A_22 {add = true} : memref<65536xf32, #tpu.memory_space<vmem>>[vector<16xi32>], vector<16xf32>,
      %shift_right_logical3A_416 = arith.constant 16 : i32
      %shift_right_logical3A_417 = vector.broadcast %shift_right_logical3A_416 : i32 to vector<16xi32>
      %shift_right_logical3A_418 = arith.shrui %get3A_406, %shift_right_logical3A_417 : vector<16xi32>
      %and3A_419 = arith.andi %shift_right_logical3A_418, %broadcast_in_dim3A_24 : vector<16xi32>
      %add3A_420 = arith.addi %add3A_408, %and3A_419 : vector<16xi32>
      tpu.vector_store_idx %arg6[%add3A_420], %broadcast_in_dim3A_22 {add = true} : memref<65536xf32, #tpu.memory_space<vmem>>[vector<16xi32>], vector<16xf32>,
      %shift_right_logical3A_421 = arith.constant 23 : i32
      %shift_right_logical3A_422 = vector.broadcast %shift_right_logical3A_421 : i32 to vector<16xi32>
      %shift_right_logical3A_423 = arith.shrui %get3A_406, %shift_right_logical3A_422 : vector<16xi32>
      %add3A_424 = arith.addi %add3A_408, %shift_right_logical3A_423 : vector<16xi32>
      tpu.vector_store_idx %arg6[%add3A_424], %broadcast_in_dim3A_22 {add = true} : memref<65536xf32, #tpu.memory_space<vmem>>[vector<16xi32>], vector<16xf32>,
      %scan3A_425 = arith.constant 0 : i32
      scf.yield %scan3A_425 : i32
    }
    %scan3A_249 = arith.constant 16 : i32
    %add3A_250 = arith.constant 32768 : i32
    %add3A_251 = arith.addi %mul3A_2, %add3A_250 : i32
    %dma_start3A_252 = arith.constant 32768 : i32
    %dma_start3A_253 = tpu.memref_slice %arg6[%dma_start3A_252] : memref<65536xf32, #tpu.memory_space<vmem>> -> memref<16384xf32, #tpu.memory_space<vmem>>
    %dma_start3A_254 = tpu.memref_slice %arg3[%add3A_251] : memref<2097152xf32, #tpu.memory_space<hbm>> -> memref<16384xf32, #tpu.memory_space<hbm>>
    %dma_start3A_255 = tpu.memref_slice %arg3[%add3A_251] : memref<2097152xf32, #tpu.memory_space<hbm>> -> memref<16384xf32, #tpu.memory_space<hbm>>
    %dma_start3A_256 = arith.constant 32768 : i32
    %dma_start3A_257 = tpu.memref_slice %arg6[%dma_start3A_256] : memref<65536xf32, #tpu.memory_space<vmem>> -> memref<16384xf32, #tpu.memory_space<vmem>>
    tpu.enqueue_dma source(%dma_start3A_257 : memref<16384xf32, #tpu.memory_space<vmem>>) target(%dma_start3A_255 : memref<16384xf32, #tpu.memory_space<hbm>>) target_semaphore(%arg9 : memref<!tpu.dma_semaphore, #tpu.memory_space<semaphore_mem>>)
    %dma_wait3A_258 = tpu.memref_slice %arg2[%add3A_12] : memref<163840xi32, #tpu.memory_space<hbm>> -> memref<1280xi32, #tpu.memory_space<hbm>>
    %dma_wait3A_259 = tpu.memref_slice %arg2[%add3A_12] : memref<163840xi32, #tpu.memory_space<hbm>> -> memref<1280xi32, #tpu.memory_space<hbm>>
    tpu.wait_dma2 semaphore(%arg8 : memref<!tpu.dma_semaphore, #tpu.memory_space<semaphore_mem>>) src(%dma_wait3A_259 : memref<1280xi32, #tpu.memory_space<hbm>>) dst(%arg5 : memref<1280xi32, #tpu.memory_space<vmem>>)
    %scan3A_260 = arith.constant 0 : i32
    %scan3A_261 = arith.constant 0 : i32
    %scan3A_262 = arith.constant 16 : i32
    %scan3A_263 = arith.addi %scan3A_261, %scan3A_262 : i32
    %scan3A_264 = arith.constant 1 : i32
    %scan3A_265 = scf.for %scan3A_299 = %scan3A_261 to %scan3A_263 step %scan3A_264 iter_args(%scan3A_300 = %scan3A_260) -> (i32)  : i32 {
      %mul3A_301 = arith.constant 8 : i32
      %mul3A_302 = arith.muli %scan3A_299, %mul3A_301 : i32
      %add3A_303 = arith.constant 384 : i32
      %add3A_304 = arith.addi %add3A_303, %mul3A_302 : i32
      %mul3A_305 = arith.constant 128 : i32
      %mul3A_306 = arith.muli %add3A_304, %mul3A_305 : i32
      %mul3A_307 = arith.constant 80 : i32
      %mul3A_308 = arith.muli %scan3A_299, %mul3A_307 : i32
      %add3A_309 = arith.constant 0 : i32
      %add3A_310 = arith.addi %mul3A_308, %add3A_309 : i32
      %get3A = arith.index_cast %add3A_310 : i32 to index
      %get3A_311 = tpu.vector_load %arg5[%get3A] {strides = array<i32>} : memref<1280xi32, #tpu.memory_space<vmem>>, vector<16xi32>,
      %add3A_312 = vector.broadcast %mul3A_306 : i32 to vector<16xi32>
      %add3A_313 = arith.addi %add3A_312, %mul3A_53 : vector<16xi32>
      %and3A_314 = arith.andi %get3A_311, %broadcast_in_dim3A_24 : vector<16xi32>
      %add3A_315 = arith.addi %add3A_313, %and3A_314 : vector<16xi32>
      tpu.vector_store_idx %arg6[%add3A_315], %broadcast_in_dim3A_22 {add = true} : memref<65536xf32, #tpu.memory_space<vmem>>[vector<16xi32>], vector<16xf32>,
      %shift_right_logical3A = arith.constant 7 : i32
      %shift_right_logical3A_316 = vector.broadcast %shift_right_logical3A : i32 to vector<16xi32>
      %shift_right_logical3A_317 = arith.shrui %get3A_311, %shift_right_logical3A_316 : vector<16xi32>
      %and3A_318 = arith.andi %shift_right_logical3A_317, %broadcast_in_dim3A_24 : vector<16xi32>
      %add3A_319 = arith.addi %add3A_313, %and3A_318 : vector<16xi32>
      tpu.vector_store_idx %arg6[%add3A_319], %broadcast_in_dim3A_22 {add = true} : memref<65536xf32, #tpu.memory_space<vmem>>[vector<16xi32>], vector<16xf32>,
      %shift_right_logical3A_320 = arith.constant 16 : i32
      %shift_right_logical3A_321 = vector.broadcast %shift_right_logical3A_320 : i32 to vector<16xi32>
      %shift_right_logical3A_322 = arith.shrui %get3A_311, %shift_right_logical3A_321 : vector<16xi32>
      %and3A_323 = arith.andi %shift_right_logical3A_322, %broadcast_in_dim3A_24 : vector<16xi32>
      %add3A_324 = arith.addi %add3A_313, %and3A_323 : vector<16xi32>
      tpu.vector_store_idx %arg6[%add3A_324], %broadcast_in_dim3A_22 {add = true} : memref<65536xf32, #tpu.memory_space<vmem>>[vector<16xi32>], vector<16xf32>,
      %shift_right_logical3A_325 = arith.constant 23 : i32
      %shift_right_logical3A_326 = vector.broadcast %shift_right_logical3A_325 : i32 to vector<16xi32>
      %shift_right_logical3A_327 = arith.shrui %get3A_311, %shift_right_logical3A_326 : vector<16xi32>
      %add3A_328 = arith.addi %add3A_313, %shift_right_logical3A_327 : vector<16xi32>
      tpu.vector_store_idx %arg6[%add3A_328], %broadcast_in_dim3A_22 {add = true} : memref<65536xf32, #tpu.memory_space<vmem>>[vector<16xi32>], vector<16xf32>,
      %mul3A_329 = arith.constant 80 : i32
      %mul3A_330 = arith.muli %scan3A_299, %mul3A_329 : i32
      %add3A_331 = arith.constant 16 : i32
      %add3A_332 = arith.addi %mul3A_330, %add3A_331 : i32
      %get3A_333 = arith.index_cast %add3A_332 : i32 to index
      %get3A_334 = tpu.vector_load %arg5[%get3A_333] {strides = array<i32>} : memref<1280xi32, #tpu.memory_space<vmem>>, vector<16xi32>,
      %add3A_335 = vector.broadcast %mul3A_306 : i32 to vector<16xi32>
      %add3A_336 = arith.addi %add3A_335, %mul3A_90 : vector<16xi32>
      %and3A_337 = arith.andi %get3A_334, %broadcast_in_dim3A_24 : vector<16xi32>
      %add3A_338 = arith.addi %add3A_336, %and3A_337 : vector<16xi32>
      tpu.vector_store_idx %arg6[%add3A_338], %broadcast_in_dim3A_22 {add = true} : memref<65536xf32, #tpu.memory_space<vmem>>[vector<16xi32>], vector<16xf32>,
      %shift_right_logical3A_339 = arith.constant 7 : i32
      %shift_right_logical3A_340 = vector.broadcast %shift_right_logical3A_339 : i32 to vector<16xi32>
      %shift_right_logical3A_341 = arith.shrui %get3A_334, %shift_right_logical3A_340 : vector<16xi32>
      %and3A_342 = arith.andi %shift_right_logical3A_341, %broadcast_in_dim3A_24 : vector<16xi32>
      %add3A_343 = arith.addi %add3A_336, %and3A_342 : vector<16xi32>
      tpu.vector_store_idx %arg6[%add3A_343], %broadcast_in_dim3A_22 {add = true} : memref<65536xf32, #tpu.memory_space<vmem>>[vector<16xi32>], vector<16xf32>,
      %shift_right_logical3A_344 = arith.constant 16 : i32
      %shift_right_logical3A_345 = vector.broadcast %shift_right_logical3A_344 : i32 to vector<16xi32>
      %shift_right_logical3A_346 = arith.shrui %get3A_334, %shift_right_logical3A_345 : vector<16xi32>
      %and3A_347 = arith.andi %shift_right_logical3A_346, %broadcast_in_dim3A_24 : vector<16xi32>
      %add3A_348 = arith.addi %add3A_336, %and3A_347 : vector<16xi32>
      tpu.vector_store_idx %arg6[%add3A_348], %broadcast_in_dim3A_22 {add = true} : memref<65536xf32, #tpu.memory_space<vmem>>[vector<16xi32>], vector<16xf32>,
      %shift_right_logical3A_349 = arith.constant 23 : i32
      %shift_right_logical3A_350 = vector.broadcast %shift_right_logical3A_349 : i32 to vector<16xi32>
      %shift_right_logical3A_351 = arith.shrui %get3A_334, %shift_right_logical3A_350 : vector<16xi32>
      %add3A_352 = arith.addi %add3A_336, %shift_right_logical3A_351 : vector<16xi32>
      tpu.vector_store_idx %arg6[%add3A_352], %broadcast_in_dim3A_22 {add = true} : memref<65536xf32, #tpu.memory_space<vmem>>[vector<16xi32>], vector<16xf32>,
      %mul3A_353 = arith.constant 80 : i32
      %mul3A_354 = arith.muli %scan3A_299, %mul3A_353 : i32
      %add3A_355 = arith.constant 32 : i32
      %add3A_356 = arith.addi %mul3A_354, %add3A_355 : i32
      %get3A_357 = arith.index_cast %add3A_356 : i32 to index
      %get3A_358 = tpu.vector_load %arg5[%get3A_357] {strides = array<i32>} : memref<1280xi32, #tpu.memory_space<vmem>>, vector<16xi32>,
      %add3A_359 = vector.broadcast %mul3A_306 : i32 to vector<16xi32>
      %add3A_360 = arith.addi %add3A_359, %mul3A_127 : vector<16xi32>
      %and3A_361 = arith.andi %get3A_358, %broadcast_in_dim3A_24 : vector<16xi32>
      %add3A_362 = arith.addi %add3A_360, %and3A_361 : vector<16xi32>
      tpu.vector_store_idx %arg6[%add3A_362], %broadcast_in_dim3A_22 {add = true} : memref<65536xf32, #tpu.memory_space<vmem>>[vector<16xi32>], vector<16xf32>,
      %shift_right_logical3A_363 = arith.constant 7 : i32
      %shift_right_logical3A_364 = vector.broadcast %shift_right_logical3A_363 : i32 to vector<16xi32>
      %shift_right_logical3A_365 = arith.shrui %get3A_358, %shift_right_logical3A_364 : vector<16xi32>
      %and3A_366 = arith.andi %shift_right_logical3A_365, %broadcast_in_dim3A_24 : vector<16xi32>
      %add3A_367 = arith.addi %add3A_360, %and3A_366 : vector<16xi32>
      tpu.vector_store_idx %arg6[%add3A_367], %broadcast_in_dim3A_22 {add = true} : memref<65536xf32, #tpu.memory_space<vmem>>[vector<16xi32>], vector<16xf32>,
      %shift_right_logical3A_368 = arith.constant 16 : i32
      %shift_right_logical3A_369 = vector.broadcast %shift_right_logical3A_368 : i32 to vector<16xi32>
      %shift_right_logical3A_370 = arith.shrui %get3A_358, %shift_right_logical3A_369 : vector<16xi32>
      %and3A_371 = arith.andi %shift_right_logical3A_370, %broadcast_in_dim3A_24 : vector<16xi32>
      %add3A_372 = arith.addi %add3A_360, %and3A_371 : vector<16xi32>
      tpu.vector_store_idx %arg6[%add3A_372], %broadcast_in_dim3A_22 {add = true} : memref<65536xf32, #tpu.memory_space<vmem>>[vector<16xi32>], vector<16xf32>,
      %shift_right_logical3A_373 = arith.constant 23 : i32
      %shift_right_logical3A_374 = vector.broadcast %shift_right_logical3A_373 : i32 to vector<16xi32>
      %shift_right_logical3A_375 = arith.shrui %get3A_358, %shift_right_logical3A_374 : vector<16xi32>
      %add3A_376 = arith.addi %add3A_360, %shift_right_logical3A_375 : vector<16xi32>
      tpu.vector_store_idx %arg6[%add3A_376], %broadcast_in_dim3A_22 {add = true} : memref<65536xf32, #tpu.memory_space<vmem>>[vector<16xi32>], vector<16xf32>,
      %mul3A_377 = arith.constant 80 : i32
      %mul3A_378 = arith.muli %scan3A_299, %mul3A_377 : i32
      %add3A_379 = arith.constant 48 : i32
      %add3A_380 = arith.addi %mul3A_378, %add3A_379 : i32
      %get3A_381 = arith.index_cast %add3A_380 : i32 to index
      %get3A_382 = tpu.vector_load %arg5[%get3A_381] {strides = array<i32>} : memref<1280xi32, #tpu.memory_space<vmem>>, vector<16xi32>,
      %add3A_383 = vector.broadcast %mul3A_306 : i32 to vector<16xi32>
      %add3A_384 = arith.addi %add3A_383, %mul3A_164 : vector<16xi32>
      %and3A_385 = arith.andi %get3A_382, %broadcast_in_dim3A_24 : vector<16xi32>
      %add3A_386 = arith.addi %add3A_384, %and3A_385 : vector<16xi32>
      tpu.vector_store_idx %arg6[%add3A_386], %broadcast_in_dim3A_22 {add = true} : memref<65536xf32, #tpu.memory_space<vmem>>[vector<16xi32>], vector<16xf32>,
      %shift_right_logical3A_387 = arith.constant 7 : i32
      %shift_right_logical3A_388 = vector.broadcast %shift_right_logical3A_387 : i32 to vector<16xi32>
      %shift_right_logical3A_389 = arith.shrui %get3A_382, %shift_right_logical3A_388 : vector<16xi32>
      %and3A_390 = arith.andi %shift_right_logical3A_389, %broadcast_in_dim3A_24 : vector<16xi32>
      %add3A_391 = arith.addi %add3A_384, %and3A_390 : vector<16xi32>
      tpu.vector_store_idx %arg6[%add3A_391], %broadcast_in_dim3A_22 {add = true} : memref<65536xf32, #tpu.memory_space<vmem>>[vector<16xi32>], vector<16xf32>,
      %shift_right_logical3A_392 = arith.constant 16 : i32
      %shift_right_logical3A_393 = vector.broadcast %shift_right_logical3A_392 : i32 to vector<16xi32>
      %shift_right_logical3A_394 = arith.shrui %get3A_382, %shift_right_logical3A_393 : vector<16xi32>
      %and3A_395 = arith.andi %shift_right_logical3A_394, %broadcast_in_dim3A_24 : vector<16xi32>
      %add3A_396 = arith.addi %add3A_384, %and3A_395 : vector<16xi32>
      tpu.vector_store_idx %arg6[%add3A_396], %broadcast_in_dim3A_22 {add = true} : memref<65536xf32, #tpu.memory_space<vmem>>[vector<16xi32>], vector<16xf32>,
      %shift_right_logical3A_397 = arith.constant 23 : i32
      %shift_right_logical3A_398 = vector.broadcast %shift_right_logical3A_397 : i32 to vector<16xi32>
      %shift_right_logical3A_399 = arith.shrui %get3A_382, %shift_right_logical3A_398 : vector<16xi32>
      %add3A_400 = arith.addi %add3A_384, %shift_right_logical3A_399 : vector<16xi32>
      tpu.vector_store_idx %arg6[%add3A_400], %broadcast_in_dim3A_22 {add = true} : memref<65536xf32, #tpu.memory_space<vmem>>[vector<16xi32>], vector<16xf32>,
      %mul3A_401 = arith.constant 80 : i32
      %mul3A_402 = arith.muli %scan3A_299, %mul3A_401 : i32
      %add3A_403 = arith.constant 64 : i32
      %add3A_404 = arith.addi %mul3A_402, %add3A_403 : i32
      %get3A_405 = arith.index_cast %add3A_404 : i32 to index
      %get3A_406 = tpu.vector_load %arg5[%get3A_405] {strides = array<i32>} : memref<1280xi32, #tpu.memory_space<vmem>>, vector<16xi32>,
      %add3A_407 = vector.broadcast %mul3A_306 : i32 to vector<16xi32>
      %add3A_408 = arith.addi %add3A_407, %mul3A_201 : vector<16xi32>
      %and3A_409 = arith.andi %get3A_406, %broadcast_in_dim3A_24 : vector<16xi32>
      %add3A_410 = arith.addi %add3A_408, %and3A_409 : vector<16xi32>
      tpu.vector_store_idx %arg6[%add3A_410], %broadcast_in_dim3A_22 {add = true} : memref<65536xf32, #tpu.memory_space<vmem>>[vector<16xi32>], vector<16xf32>,
      %shift_right_logical3A_411 = arith.constant 7 : i32
      %shift_right_logical3A_412 = vector.broadcast %shift_right_logical3A_411 : i32 to vector<16xi32>
      %shift_right_logical3A_413 = arith.shrui %get3A_406, %shift_right_logical3A_412 : vector<16xi32>
      %and3A_414 = arith.andi %shift_right_logical3A_413, %broadcast_in_dim3A_24 : vector<16xi32>
      %add3A_415 = arith.addi %add3A_408, %and3A_414 : vector<16xi32>
      tpu.vector_store_idx %arg6[%add3A_415], %broadcast_in_dim3A_22 {add = true} : memref<65536xf32, #tpu.memory_space<vmem>>[vector<16xi32>], vector<16xf32>,
      %shift_right_logical3A_416 = arith.constant 16 : i32
      %shift_right_logical3A_417 = vector.broadcast %shift_right_logical3A_416 : i32 to vector<16xi32>
      %shift_right_logical3A_418 = arith.shrui %get3A_406, %shift_right_logical3A_417 : vector<16xi32>
      %and3A_419 = arith.andi %shift_right_logical3A_418, %broadcast_in_dim3A_24 : vector<16xi32>
      %add3A_420 = arith.addi %add3A_408, %and3A_419 : vector<16xi32>
      tpu.vector_store_idx %arg6[%add3A_420], %broadcast_in_dim3A_22 {add = true} : memref<65536xf32, #tpu.memory_space<vmem>>[vector<16xi32>], vector<16xf32>,
      %shift_right_logical3A_421 = arith.constant 23 : i32
      %shift_right_logical3A_422 = vector.broadcast %shift_right_logical3A_421 : i32 to vector<16xi32>
      %shift_right_logical3A_423 = arith.shrui %get3A_406, %shift_right_logical3A_422 : vector<16xi32>
      %add3A_424 = arith.addi %add3A_408, %shift_right_logical3A_423 : vector<16xi32>
      tpu.vector_store_idx %arg6[%add3A_424], %broadcast_in_dim3A_22 {add = true} : memref<65536xf32, #tpu.memory_space<vmem>>[vector<16xi32>], vector<16xf32>,
      %scan3A_425 = arith.constant 0 : i32
      scf.yield %scan3A_425 : i32
    }
    %scan3A_266 = arith.constant 16 : i32
    %add3A_267 = arith.constant 49152 : i32
    %add3A_268 = arith.addi %mul3A_2, %add3A_267 : i32
    %dma_start3A_269 = arith.constant 49152 : i32
    %dma_start3A_270 = tpu.memref_slice %arg6[%dma_start3A_269] : memref<65536xf32, #tpu.memory_space<vmem>> -> memref<16384xf32, #tpu.memory_space<vmem>>
    %dma_start3A_271 = tpu.memref_slice %arg3[%add3A_268] : memref<2097152xf32, #tpu.memory_space<hbm>> -> memref<16384xf32, #tpu.memory_space<hbm>>
    %dma_start3A_272 = tpu.memref_slice %arg3[%add3A_268] : memref<2097152xf32, #tpu.memory_space<hbm>> -> memref<16384xf32, #tpu.memory_space<hbm>>
    %dma_start3A_273 = arith.constant 49152 : i32
    %dma_start3A_274 = tpu.memref_slice %arg6[%dma_start3A_273] : memref<65536xf32, #tpu.memory_space<vmem>> -> memref<16384xf32, #tpu.memory_space<vmem>>
    tpu.enqueue_dma source(%dma_start3A_274 : memref<16384xf32, #tpu.memory_space<vmem>>) target(%dma_start3A_272 : memref<16384xf32, #tpu.memory_space<hbm>>) target_semaphore(%arg9 : memref<!tpu.dma_semaphore, #tpu.memory_space<semaphore_mem>>)
    %dma_wait3A_275 = arith.constant 0 : i32
    %dma_wait3A_276 = tpu.memref_slice %arg6[%dma_wait3A_275] : memref<65536xf32, #tpu.memory_space<vmem>> -> memref<16384xf32, #tpu.memory_space<vmem>>
    %dma_wait3A_277 = tpu.memref_slice %arg3[%add3A_213] : memref<2097152xf32, #tpu.memory_space<hbm>> -> memref<16384xf32, #tpu.memory_space<hbm>>
    %dma_wait3A_278 = tpu.memref_slice %arg3[%add3A_213] : memref<2097152xf32, #tpu.memory_space<hbm>> -> memref<16384xf32, #tpu.memory_space<hbm>>
    %dma_wait3A_279 = arith.constant 0 : i32
    %dma_wait3A_280 = tpu.memref_slice %arg6[%dma_wait3A_279] : memref<65536xf32, #tpu.memory_space<vmem>> -> memref<16384xf32, #tpu.memory_space<vmem>>
    tpu.wait_dma2 semaphore(%arg9 : memref<!tpu.dma_semaphore, #tpu.memory_space<semaphore_mem>>) src(%dma_wait3A_280 : memref<16384xf32, #tpu.memory_space<vmem>>) dst(%dma_wait3A_278 : memref<16384xf32, #tpu.memory_space<hbm>>)
    %dma_wait3A_281 = arith.constant 16384 : i32
    %dma_wait3A_282 = tpu.memref_slice %arg6[%dma_wait3A_281] : memref<65536xf32, #tpu.memory_space<vmem>> -> memref<16384xf32, #tpu.memory_space<vmem>>
    %dma_wait3A_283 = tpu.memref_slice %arg3[%add3A_232] : memref<2097152xf32, #tpu.memory_space<hbm>> -> memref<16384xf32, #tpu.memory_space<hbm>>
    %dma_wait3A_284 = tpu.memref_slice %arg3[%add3A_232] : memref<2097152xf32, #tpu.memory_space<hbm>> -> memref<16384xf32, #tpu.memory_space<hbm>>
    %dma_wait3A_285 = arith.constant 16384 : i32
    %dma_wait3A_286 = tpu.memref_slice %arg6[%dma_wait3A_285] : memref<65536xf32, #tpu.memory_space<vmem>> -> memref<16384xf32, #tpu.memory_space<vmem>>
    tpu.wait_dma2 semaphore(%arg9 : memref<!tpu.dma_semaphore, #tpu.memory_space<semaphore_mem>>) src(%dma_wait3A_286 : memref<16384xf32, #tpu.memory_space<vmem>>) dst(%dma_wait3A_284 : memref<16384xf32, #tpu.memory_space<hbm>>)
    %dma_wait3A_287 = arith.constant 32768 : i32
    %dma_wait3A_288 = tpu.memref_slice %arg6[%dma_wait3A_287] : memref<65536xf32, #tpu.memory_space<vmem>> -> memref<16384xf32, #tpu.memory_space<vmem>>
    %dma_wait3A_289 = tpu.memref_slice %arg3[%add3A_251] : memref<2097152xf32, #tpu.memory_space<hbm>> -> memref<16384xf32, #tpu.memory_space<hbm>>
    %dma_wait3A_290 = tpu.memref_slice %arg3[%add3A_251] : memref<2097152xf32, #tpu.memory_space<hbm>> -> memref<16384xf32, #tpu.memory_space<hbm>>
    %dma_wait3A_291 = arith.constant 32768 : i32
    %dma_wait3A_292 = tpu.memref_slice %arg6[%dma_wait3A_291] : memref<65536xf32, #tpu.memory_space<vmem>> -> memref<16384xf32, #tpu.memory_space<vmem>>
    tpu.wait_dma2 semaphore(%arg9 : memref<!tpu.dma_semaphore, #tpu.memory_space<semaphore_mem>>) src(%dma_wait3A_292 : memref<16384xf32, #tpu.memory_space<vmem>>) dst(%dma_wait3A_290 : memref<16384xf32, #tpu.memory_space<hbm>>)
    %dma_wait3A_293 = arith.constant 49152 : i32
    %dma_wait3A_294 = tpu.memref_slice %arg6[%dma_wait3A_293] : memref<65536xf32, #tpu.memory_space<vmem>> -> memref<16384xf32, #tpu.memory_space<vmem>>
    %dma_wait3A_295 = tpu.memref_slice %arg3[%add3A_268] : memref<2097152xf32, #tpu.memory_space<hbm>> -> memref<16384xf32, #tpu.memory_space<hbm>>
    %dma_wait3A_296 = tpu.memref_slice %arg3[%add3A_268] : memref<2097152xf32, #tpu.memory_space<hbm>> -> memref<16384xf32, #tpu.memory_space<hbm>>
    %dma_wait3A_297 = arith.constant 49152 : i32
    %dma_wait3A_298 = tpu.memref_slice %arg6[%dma_wait3A_297] : memref<65536xf32, #tpu.memory_space<vmem>> -> memref<16384xf32, #tpu.memory_space<vmem>>
    tpu.wait_dma2 semaphore(%arg9 : memref<!tpu.dma_semaphore, #tpu.memory_space<semaphore_mem>>) src(%dma_wait3A_298 : memref<16384xf32, #tpu.memory_space<vmem>>) dst(%dma_wait3A_296 : memref<16384xf32, #tpu.memory_space<hbm>>)
    return
  }
}

module attributes {stable_mosaic.version = 14 : i64} {
  func.func @_mm_body(%arg0: i32, %arg1: memref<2048x128xf32, #tpu.memory_space<vmem>>, %arg2: memref<112x128xf32, #tpu.memory_space<vmem>>, %arg3: memref<2048x128xf32, #tpu.memory_space<vmem>>) attributes {dimension_semantics = [#tpu.dimension_semantics<arbitrary>], iteration_bounds = array<i64: 8>, scalar_prefetch = 0 : i64, scratch_operands = 0 : i64, tpu.core_type = #tpu.core_type<tc>, window_params = [{transform_indices = @transform_0, window_bounds = array<i64: 2048, 128>}, {pipeline_mode = #tpu.pipeline_mode<synchronous>, transform_indices = @transform_1, window_bounds = array<i64: 112, 128>}, {transform_indices = @transform_2, window_bounds = array<i64: 2048, 128>}]} {
    %get3A = arith.constant 0 : index
    %get3A_0 = arith.constant 0 : index
    %get3A_1 = vector.load %arg1[%get3A, %get3A_0] : memref<2048x128xf32, #tpu.memory_space<vmem>>, vector<2048x112xf32>
    %get3A_2 = arith.constant 0 : index
    %get3A_3 = arith.constant 0 : index
    %get3A_4 = vector.load %arg2[%get3A_2, %get3A_3] : memref<112x128xf32, #tpu.memory_space<vmem>>, vector<112x128xf32>
    %dot_general3A = arith.constant dense<0.000000e+00> : vector<2048x128xf32>
    %dot_general3A_5 = tpu.matmul %get3A_1, %get3A_4, %dot_general3A {dimension_numbers = #tpu.dot_dimension_numbers<[1], [0], [0], [1], [0, 0, 1, 1], [], []>, transpose_lhs_hint = false} : vector<2048x112xf32>, vector<112x128xf32>, vector<2048x128xf32> -> vector<2048x128xf32>
    %swap3A = arith.constant 0 : index
    %swap3A_6 = arith.constant 0 : index
    %swap3A_7 = vector.load %arg3[%swap3A, %swap3A_6] : memref<2048x128xf32, #tpu.memory_space<vmem>>, vector<2048x128xf32>
    tpu.vector_store %arg3[%swap3A, %swap3A_6], %dot_general3A_5 {strides = array<i32>} : memref<2048x128xf32, #tpu.memory_space<vmem>>, vector<2048x128xf32>,
    return
  }
  func.func @transform_0(%arg0: i32) -> (i32, i32) {
    %c0_i32 = arith.constant 0 : i32
    %c0_i32_0 = arith.constant 0 : i32
    return %arg0, %c0_i32 : i32, i32
  }
  func.func @transform_1(%arg0: i32) -> (i32, i32) {
    %c0_i32 = arith.constant 0 : i32
    %c0_i32_0 = arith.constant 0 : i32
    %c0_i32_1 = arith.constant 0 : i32
    return %c0_i32, %c0_i32_0 : i32, i32
  }
  func.func @transform_2(%arg0: i32) -> (i32, i32) {
    %c0_i32 = arith.constant 0 : i32
    %c0_i32_0 = arith.constant 0 : i32
    return %arg0, %c0_i32 : i32, i32
  }
}

</mosaic_0001>

<sc_bundles>
// kernel: kernel.4.cloned.1.call-start
scs
__scs_entry_jumppad:
0x0: {  	(pc) =	sbr.rel $0x88, $3  }
0x1: {  	(tag) =	ssettag $0x0;
	lr =	simm.s32 $0x1  }
0x2: {  	[smem:$0x3F9B] =	sst lr;
	_ =	strace $0xD0000000  }
0x3: {  	_ = 	snop  }
0x4: {  	_ = 	snop  }
0x5: {  	_ = 	snop  }
0x6: {  	_ = 	snop  }
0x7: {  	_ = 	snop  }
__scs_overlays_trampoline_lowered:
0x8: {  	[smem:$0x3FAA] =	sst s0  }
0x9: {  	[smem:$0x3FAB] =	sst s1  }
0xa: {  	[smem:$0x3FAC] =	sst s2  }
0xb: {  	[smem:$0x3FAD] =	sst s3  }
0xc: {  	[smem:$0x3FAE] =	sst s4  }
0xd: {  	[smem:$0x3FAF] =	sst s5  }
0xe: {  	[smem:$0x3FB0] =	sst s6  }
0xf: {  	[smem:$0x3FB1] =	sst s7  }
0x10: {  	[smem:$0x3FB2] =	sst s8  }
0x11: {  	[smem:$0x3FB3] =	sst s9;
	s0 =	simm.s32 @!p0 $0x0  }
0x12: {  	s1 =	sld [smem:$0x3F99];
	s0 =	simm.s32 @p0 $0x1  }
0x13: {  	[smem:$0x3FB4] =	sst s0;
	s0 =	simm.s32 @!p1 $0x0  }
0x14: {  	s2 =	sld [smem:$0x3F98];
	s0 =	simm.s32 @p1 $0x1  }
0x15: {  	[smem:$0x3FB5] =	sst s0;
	s0 =	simm.s32 @!p2 $0x0  }
0x16: {  	s3 =	sld [smem:$0x3FDB];
	s0 =	simm.s32 @p2 $0x1  }
0x17: {  	s4 =	simm.s32 $0x1BF5;
	[smem:$0x3FB7] =	sst s0  }
0x18: {  	s0 =	sld [smem:$0x3F9A];
	_ =	swait.ge [sflag:s4], $0x0  }
0x19: {  	s7 =	sld [smem:$0x3F9B]  }
0x1a: {  	s8 =	sadd.s32 $0xFFFFE003, lr  }
0x1b: {  	s9 =	sadd.s32 $0xFFFFFEF7, lr;
	s5 =	simm.s32 $0xFFFFFFFF;
	p2 =	slt.u32 s8, $0xFFFFF086  }
0x1c: {  	p1 =	slt.u32 s9, $0xF7A;
	s5 =	simm.s32 @!p2 $0x0  }
0x1d: {  	s5 =	simm.s32 @p1 $0x1;
	p0 =	seq.s32 s7, s2  }
0x1e: {  	s7 =	smul.u32 @!p0 $0xF7A, s2;
	p2 =	seq.s32 @!p0 s5, $0x0  }
0x1f: {  	s9 =	smul.u32 $0xF7A, s1;
	s8 =	simm.s32 @!p0 $0x1BF5;
	p2 =	por !p2, p0  }
0x20: {  	[sflag:s8] =	ssyncset.s32 @!p0 $0xFFFFF086;
	s6 =	sadd.s32 @!p0 s3, s7;
	s7 =	simm.s32 @!p0 $0x108  }
0x21: {  	s3 =	sadd.s32 s3, s9;
	s6 =	sadd.s32 @!p0 $0x88, s6;
	s7 =	simm.s32 @p2 $0x1082  }
0x22: {  	[simem:s7], [sflag:s8] =	dma.local @!p0 [hbm:s6], $0xF7A  }
0x23: {  	s9 =	sor.u32 $0xD0000000, s2;
	s6 =	simm.s32 $0x108;
	_ =	swait.ge @!p0 [sflag:s8], $0x0  }
0x24: {  	s3 =	sadd.s32 $0x88, s3;
	s6 =	simm.s32 @!p1 $0x1082;
	[sflag:s4] =	ssyncset.s32 $0xFFFFF086  }
0x25: {  	[simem:s6], [sflag:s4] =	dma.local [hbm:s3], $0xF7A  }
0x26: {  	[smem:$0x3F9B] =	sst s1;
	(tag) =	ssettag s2;
	_ =	strace s9  }
0x27: {  	s1 =	sld [smem:$0x3FAB]  }
0x28: {  	s2 =	sld [smem:$0x3FAC]  }
0x29: {  	s4 =	sld [smem:$0x3FAE]  }
0x2a: {  	p0 =	seq.s32 s5, $0x0;
	s5 =	sld [smem:$0x3FAF]  }
0x2b: {  	s6 =	sld [smem:$0x3FB0]  }
0x2c: {  	s7 =	sld [smem:$0x3FB1]  }
0x2d: {  	s3 =	simm.s32 $0x108;
	s8 =	sld [smem:$0x3FB2]  }
0x2e: {  	s3 =	simm.s32 @!p0 $0x1082;
	s9 =	sld [smem:$0x3FB3]  }
0x2f: {  	lr =	sadd.s32 s0, s3;
	s0 =	sld [smem:$0x3FAA]  }
0x30: {  	s3 =	sld [smem:$0x3FAD]  }
0x31: {  	[smem:$0x3FB6] =	sst s10  }
0x32: {  	s10 =	sld [smem:$0x3FB4];
	_ =	sdelay $0x3  }
0x33: {  	p0 =	seq.s32 s10, $0x1;
	s10 =	sld [smem:$0x3FB6];
	_ =	sdelay $0x3  }
0x34: {  	[smem:$0x3FB6] =	sst s10  }
0x35: {  	s10 =	sld [smem:$0x3FB5];
	_ =	sdelay $0x3  }
0x36: {  	p1 =	seq.s32 s10, $0x1;
	s10 =	sld [smem:$0x3FB6];
	_ =	sdelay $0x3  }
0x37: {  	[smem:$0x3FB6] =	sst s10  }
0x38: {  	s10 =	sld [smem:$0x3FB7]  }
0x39: {  	_ = 	snop;
	(pc) =	sbr.ind lr, $3  }
0x3a: {  	_ = 	snop  }
0x3b: {  	_ = 	snop  }
0x3c: {  	p2 =	seq.s32 s10, $0x1;
	s10 =	sld [smem:$0x3FB6]  }
0x3d: {  	_ =	shalt  }
0x3e: {  	_ =	shalt  }
0x3f: {  	_ =	shalt  }
0x40: {  	_ =	shalt  }
0x41: {  	_ =	shalt  }
0x42: {  	_ =	shalt  }
0x43: {  	_ =	shalt  }
0x44: {  	_ =	shalt  }
0x45: {  	_ =	shalt  }
0x46: {  	_ =	shalt  }
0x47: {  	_ =	shalt  }
0x48: {  	_ =	shalt  }
0x49: {  	_ =	shalt  }
0x4a: {  	_ =	shalt  }
0x4b: {  	_ =	shalt  }
0x4c: {  	_ =	shalt  }
0x4d: {  	_ =	shalt  }
0x4e: {  	_ =	shalt  }
0x4f: {  	_ =	shalt  }
0x50: {  	_ =	shalt  }
0x51: {  	_ =	shalt  }
0x52: {  	_ =	shalt  }
0x53: {  	_ =	shalt  }
0x54: {  	_ =	shalt  }
0x55: {  	_ =	shalt  }
0x56: {  	_ =	shalt  }
0x57: {  	_ =	shalt  }
0x58: {  	_ =	shalt  }
0x59: {  	_ =	shalt  }
0x5a: {  	_ =	shalt  }
0x5b: {  	_ =	shalt  }
0x5c: {  	_ =	shalt  }
0x5d: {  	_ =	shalt  }
0x5e: {  	_ =	shalt  }
0x5f: {  	_ =	shalt  }
0x60: {  	_ =	shalt  }
0x61: {  	_ =	shalt  }
0x62: {  	_ =	shalt  }
0x63: {  	_ =	shalt  }
0x64: {  	_ =	shalt  }
0x65: {  	_ =	shalt  }
0x66: {  	_ =	shalt  }
0x67: {  	_ =	shalt  }
0x68: {  	_ =	shalt  }
0x69: {  	_ =	shalt  }
0x6a: {  	_ =	shalt  }
0x6b: {  	_ =	shalt  }
0x6c: {  	_ =	shalt  }
0x6d: {  	_ =	shalt  }
0x6e: {  	_ =	shalt  }
0x6f: {  	_ =	shalt  }
0x70: {  	_ =	shalt  }
0x71: {  	_ =	shalt  }
0x72: {  	_ =	shalt  }
0x73: {  	_ =	shalt  }
0x74: {  	_ =	shalt  }
0x75: {  	_ =	shalt  }
0x76: {  	_ =	shalt  }
0x77: {  	_ =	shalt  }
0x78: {  	_ =	shalt  }
0x79: {  	_ =	shalt  }
0x7a: {  	_ =	shalt  }
0x7b: {  	_ =	shalt  }
0x7c: {  	_ =	shalt  }
0x7d: {  	_ =	shalt  }
0x7e: {  	_ =	shalt  }
0x7f: {  	_ =	shalt  }
0x80: {  	_ =	shalt  }
0x81: {  	_ =	shalt  }
0x82: {  	_ =	shalt  }
0x83: {  	_ =	shalt  }
0x84: {  	_ =	shalt  }
0x85: {  	_ =	shalt  }
0x86: {  	_ =	shalt  }
0x87: {  	_ =	shalt  }
.Lfunc_end0:
.L_simem_size_0:
called_computation_lowered:
.L_overlay_start_0:
0x88: {  	s2 =	sld [smem:$0x3FD9]  }
0x89: {  	s3 =	sld [smem:$0x3FFE];
	_ =	sdelay $0x1  }
0x8a: {  	s1 =	srdreg.scid  }
0x8b: {  	s0 =	sand.u32 $0x1, s1  }
0x8c: {  	s17 =	sshll.u32 s0, $0xA;
	s2 =	sadd.s32 s3, s2  }
0x8d: {  	s2 =	sadd.s32 s2, s17  }
0x8e: {  	[smem:$0x3FC2] =	sst s2  }
0x8f: {  	_ = 	snop  }
0x90: {  	s2 =	sld [smem:$0x3FD0];
	(tm) =	ssettm $0x1  }
0x91: {  	s18 =	sld [smem:$0x3FFB];
	_ =	sdelay $0x3  }
0x92: {  	_ =	strace s18  }
0x93: {  	s3 =	sld [smem:$0x3FFC];
	_ =	sdelay $0x3  }
0x94: {  	_ =	strace s3  }
0x95: {  	s3 =	sld [smem:$0x3FFD];
	_ =	sdelay $0x3  }
0x96: {  	_ =	strace s3  }
0x97: {  	_ =	strace $0x8FFFFFFF  }
0x98: {  	s19 =	sld [smem:$0x3FDB];
	_ =	sdelay $0x1  }
0x99: {  	s4 =	simm.s32 $_scs_section_size  }
0x9a: {  	s5 =	simm.s32 $_size__tile_overlayer_lowered;
	s6 =	simm.s32 $_tile_overlayer_lowered  }
0x9b: {  	s22 =	simm.s32 $0x1BFF;
	s21 =	sshll.u32 s6, $0x1;
	s3 =	sadd.s32 s4, s19  }
0x9c: {  	s7 =	simm.s32 $0x0;
	s20 =	sshll.u32 s5, $0x1;
	s5 =	sadd.s32 s21, s3  }
0x9d: {  	[timem:s7], [sflag:s22] =	dma.local [hbm:s5], s20  }
0x9e: {  	_ =	swait.ge [sflag:s22], s20  }
0x9f: {  	s4 =	ssub.s32 $0x0, s20;
	[sflag:s22] =	ssyncset.done $0x0  }
0xa0: {  	[sflag:s22] =	ssyncadd.s32 s4;
	_ =	sdelay $0x1  }
0xa1: {  	s23 =	simm.s32 $0x1B8B  }
0xa2: {  	_ =	swait.ge [sflag:s23], $0x1  }
0xa3: {  	[sflag:s23] =	ssyncset.done $0x0  }
0xa4: {  	s25 =	simm.s32 $0x1B8E;
	s24 =	sld [smem:$0x3FFE];
	[sflag:s23] =	ssyncadd.s32 $0xFFFFFFFF  }
0xa5: {  	s26 =	simm.s32 $execute0_lowered;
	[smem:$0x3FD2] =	sst s25  }
0xa6: {  	s5 =	sshll.u32 s26, $0x1;
	_ =	strace $0x80000046;
	[dreg:$0x1] =	wrdreg $0xFFFFFFFF  }
0xa7: {  	s28 =	simm.s32 $_size_execute0_lowered;
	s3 =	sadd.s32 s3, s5;
	[dreg:$0x0] =	wrdreg $0x0  }
0xa8: {  	s5 =	sshll.u32 s28, $0x1;
	[dreg:$0x2] =	wrdreg s3  }
0xa9: {  	[dreg:$0x3] =	wrdreg s5  }
0xaa: {  	[dreg:$0x4] =	wrdreg $0xC0  }
0xab: {  	_ =	task [dreg:s7], $0x5FFFF  }
0xac: {  	[dreg:$0x1] =	wrdreg $0xFFFFFFFF  }
0xad: {  	[dreg:$0x0] =	wrdreg $0x60  }
0xae: {  	[dreg:$0x2] =	wrdreg s24  }
0xaf: {  	[dreg:$0x3] =	wrdreg s2  }
0xb0: {  	[dreg:$0x4] =	wrdreg $0x9  }
0xb1: {  	_ =	task.clear_ibuf [dreg:s7], $0x5FFFF;
	_ =	strace $0x90000046  }
0xb2: {  	s29 =	simm.s32 $0x9;
	_ =	strace $0x80000048  }
0xb3: {  	_ =	swait.ge [sflag:s29], $0x1  }
0xb4: {  	[sflag:s29] =	ssyncadd.s32 $0xFFFFFFFF  }
0xb5: {  	_ =	strace $0x90000048  }
0xb6: {  	_ =	sfence  }
0xb7: {  	s30 =	sld [smem:$0x0];
	_ =	sdelay $0x2  }
0xb8: {  	s31 =	sshll.u32 s1, $0xD;
	s1 =	sshrl.u32 s1, $0x2  }
0xb9: {  	s3 =	sand.u32 $0x4000, s31;
	s1 =	sadd.s32 s1, s30  }
0xba: {  	s0 =	sor.u32 s3, s0;
	s1 =	sshll.u32 s1, $0x11  }
0xbb: {  	s0 =	sor.u32 s1, s0  }
0xbc: {  	s0 =	sadd.s32 $0x8F2B, s0  }
0xbd: {  	[sflag:s0] =	ssyncadd.remote.s32 $0x1  }
0xbe: {  	_ =	sfence.sel $0xFFFF  }
0xbf: {  	[dreg:$0x0] =	wrdreg $0xFFFFFFFF;
	(pc) =	sbr.abs _section_cstart, $3  }
0xc0: {  	[dreg:$0x1] =	wrdreg $0xFFFFFFFF  }
0xc1: {  	_ =	task.clear_ibuf [dreg:s7], $0x2FFFF;
	_ =	strace $0x9FFFFFFF  }
0xc2: {  	(tm) =	ssettm $0x7FFFFFFF  }
0xc3: {  	_ =	shalt  }
tec
execute0_lowered:
.L_overlay_start_1:
0x0: {  	(tag) =	ssettag $0x1  }
0x1: {  	s1 =	srdreg.scid  }
0x2: {  	s0 =	stileid.u32;
	s3 =	rddreg [dreg:$0x0]  }
0x3: {  	s5 =	rddreg [dreg:$0x1];
	s2 =	simm.s32 $0x0;
	s12 =	simm.s32 $0x1  }
0x4: {  	s13 =	simm.s32 $0x500;
	s14 =	simm.s32 $0xA00;
	s15 =	simm.s32 $0x2  }
0x5: {  	s16 =	simm.s32 $0x4A00;
	s17 =	simm.s32 $0x8A00;
	s18 =	simm.s32 $0xCA00  }
0x6: {  	vm0 =	vcmask $0x2700;
	s19 =	simm.s32 $0x3;
	s4 =	sand.u32 $0x1, s1;
	s31 =	sshll.u32 s0, $0x1  }
0x7: {  	v0 =	vimm.s32 $0x80;
	vm1 =	vcmask $0xF00;
	v1 =	vimm.s32 $0x180;
	s20 =	simm.s32 $0x0;
	s1 =	rddreg [dreg:$0x2];
	s6 =	sor.u32 s4, s31  }
0x8: {  	vm12 =	vcmask $0x3710;
	v3 =	vlaneseq.u32;
	vm13 =	vcmask $0x700;
	[smem:$0x7FF] =	sst s2;
	s4 =	ssub.s32 $0x2, s4;
	s7 =	smul.u32 $0x1400, s6  }
0x9: {  	v4 =	vimm.s32 $0x300;
	vm14 =	vcmask $0x2F08;
	v6 =	vimm.s32 $0x380;
	_ =	strace $0x80000047;
	s8 =	sshrl.u32 s4, $0x1;
	s6 =	sshll.u32 s6, $0xD  }
0xa: {  	vm15 =	vcmask $0x1700;
	v0 =	vsel vm0, $0x0, v0;
	v3 =	vshrl.u32 v3, $0x3;
	s11 =	ssub.s32 s4, s8;
	s5 =	sadd.s32 s5, s6;
	s7 =	sshrl.u32 s7, $0x3  }
0xb: {  	v2 =	vsel vm1, $0x80, v1;
	v1 =	vimm.f32 $0.0e+00;
	v5 =	vmul.u32 $0x80, v3;
	s10 =	sadd.s32 $0x1800, s5;
	s11 =	smax.u32 s11, $0x1;
	s9 =	sadd.s32 s7, s3  }
0xc: {  	v6 =	vsel vm15, $0x300, v6;
	v2 =	vsel vm12, $0x100, v2;
	v3 =	vsel vm13, $0x200, v4;
	s7 =	sadd.s32 $0x800, s5;
	s3 =	sadd.s32 $0xC00, s9;
	s4 =	sadd.s32 $0xCA0, s9  }
0xd: {  	v4 =	vimm.f32 $1.000000000e+00;
	v3 =	vsel vm14, $0x280, v3;
	v5 =	vadd.s32 $0x180, v5;
	s6 =	sadd.s32 $0xD40, s9;
	s8 =	sadd.s32 $0xDE0, s9;
	s9 =	sadd.s32 $0x1000, s5  }
.LBB2_1:
0xe: {  	[tilespmem:s2], [sflag:$0x1] =	stream.linear.gather [hbm4b:s3+s2], $0x500, $0x38;
	[tilespmem:$0x10A00] =	vst v63  }
0xf: {  	s21 =	simm.s32 $0x0;
	s22 =	simm.s32 $0x200  }
.LBB2_2:
0x10: {  	p0 =	sne.s32 s22, $0x3FE00;
	[tilespmem:s21+$0xA60] =	vst v1  }
0x11: {  	[tilespmem:s21+$0xA00] =	vst v1  }
.Ltmp0:
0x12: {  	[tilespmem:s21+$0xA10] =	vst v1;
	(pc) =	sbr.rel @p0 .LBB2_2-.Ltmp0, $4  }
0x13: {  	[tilespmem:s21+$0xA20] =	vst v1  }
0x14: {  	[tilespmem:s21+$0xA30] =	vst v1  }
0x15: {  	[tilespmem:s21+$0xA40] =	vst v1  }
0x16: {  	[tilespmem:s21+$0xA50] =	vst v1;
	s21 =	sshra.s32 s22, $0x2;
	s22 =	sadd.s32 $0x200, s22  }
0x17: {  	[tilespmem:s21+$0xA60] =	vst v1  }
0x18: {  	[tilespmem:s21+$0xA00] =	vst v1  }
0x19: {  	[tilespmem:s21+$0xA10] =	vst v1  }
0x1a: {  	[tilespmem:s21+$0xA20] =	vst v1  }
0x1b: {  	[tilespmem:s21+$0xA30] =	vst v1  }
0x1c: {  	[tilespmem:s21+$0xA40] =	vst v1  }
0x1d: {  	[tilespmem:s21+$0xA50] =	vst v1  }
0x1e: {  	_ =	swait.ge [sflag:s12], $0x500  }
0x1f: {  	[sflag:s12] =	ssyncset.done $0x0  }
0x20: {  	s21 =	simm.s32 $0x0;
	s22 =	simm.s32 $0x20;
	[sflag:s12] =	ssyncadd.s32 $0xFFFFFB00  }
0x21: {  	[tilespmem:s13], [sflag:$0x2] =	stream.linear.gather [hbm4b:s4+s21], $0x500, $0x38;
	[tilespmem:$0x10A00] =	vst v63  }
.LBB2_4:
0x22: {  	v7 =	vld [tilespmem:s22+$0xFFFFFFE0];
	_ =	sdelay $0x4  }
0x23: {  	v8 =	vor.u32 s21, v0;
	v9 =	vand.u32 $0x7F, v7;
	v10 =	vshrl.u32 v7, $0x7  }
0x24: {  	v11 =	vshrl.u32 v7, $0x10;
	v9 =	vor.u32 v8, v9;
	v10 =	vand.u32 $0x7F, v10  }
0x25: {  	v11 =	vand.u32 $0x7F, v11;
	v10 =	vor.u32 v8, v10  }
0x26: {  	v7 =	vshrl.u32 v7, $0x17;
	v11 =	vor.u32 v8, v11  }
0x27: {  	v7 =	vadd.s32 v8, v7;
	_ =	sdelay $0x1  }
0x28: {  	[tilespmem:v9+s14+$0x0] =	vst.idx.add.f32.msk $0xffff, v4  }
0x29: {  	[tilespmem:v10+s14+$0x0] =	vst.idx.add.f32.msk $0xffff, v4  }
0x2a: {  	[tilespmem:v11+s14+$0x0] =	vst.idx.add.f32.msk $0xffff, v4  }
0x2b: {  	[tilespmem:v7+s14+$0x0] =	vst.idx.add.f32.msk $0xffff, v4  }
0x2c: {  	v7 =	vld [tilespmem:s22+$0xFFFFFFF0];
	_ =	sdelay $0x4  }
0x2d: {  	v8 =	vor.u32 s21, v2;
	v52 =	vand.u32 $0x7F, v7;
	v53 =	vshrl.u32 v7, $0x7  }
0x2e: {  	v54 =	vshrl.u32 v7, $0x10;
	v9 =	vor.u32 v8, v52;
	v10 =	vand.u32 $0x7F, v53  }
0x2f: {  	v11 =	vand.u32 $0x7F, v54;
	v10 =	vor.u32 v8, v10  }
0x30: {  	v7 =	vshrl.u32 v7, $0x17;
	v11 =	vor.u32 v8, v11  }
0x31: {  	v7 =	vadd.s32 v8, v7;
	_ =	sdelay $0x1  }
0x32: {  	[tilespmem:v9+s14+$0x0] =	vst.idx.add.f32.msk $0xffff, v4  }
0x33: {  	[tilespmem:v10+s14+$0x0] =	vst.idx.add.f32.msk $0xffff, v4  }
0x34: {  	[tilespmem:v11+s14+$0x0] =	vst.idx.add.f32.msk $0xffff, v4  }
0x35: {  	[tilespmem:v7+s14+$0x0] =	vst.idx.add.f32.msk $0xffff, v4  }
0x36: {  	v7 =	vld [tilespmem:s22+$0x0];
	_ =	sdelay $0x4  }
0x37: {  	v8 =	vor.u32 s21, v5;
	v55 =	vand.u32 $0x7F, v7;
	v56 =	vshrl.u32 v7, $0x7  }
0x38: {  	v57 =	vshrl.u32 v7, $0x10;
	v9 =	vor.u32 v8, v55;
	v10 =	vand.u32 $0x7F, v56  }
0x39: {  	v11 =	vand.u32 $0x7F, v57;
	v10 =	vor.u32 v8, v10  }
0x3a: {  	v7 =	vshrl.u32 v7, $0x17;
	v11 =	vor.u32 v8, v11  }
0x3b: {  	v7 =	vadd.s32 v8, v7;
	_ =	sdelay $0x1  }
0x3c: {  	[tilespmem:v9+s14+$0x0] =	vst.idx.add.f32.msk $0xffff, v4  }
0x3d: {  	[tilespmem:v10+s14+$0x0] =	vst.idx.add.f32.msk $0xffff, v4  }
0x3e: {  	[tilespmem:v11+s14+$0x0] =	vst.idx.add.f32.msk $0xffff, v4  }
0x3f: {  	[tilespmem:v7+s14+$0x0] =	vst.idx.add.f32.msk $0xffff, v4  }
0x40: {  	v7 =	vld [tilespmem:s22+$0x10];
	_ =	sdelay $0x4  }
0x41: {  	v8 =	vor.u32 s21, v3;
	v58 =	vand.u32 $0x7F, v7;
	v59 =	vshrl.u32 v7, $0x7  }
0x42: {  	v60 =	vshrl.u32 v7, $0x10;
	v9 =	vor.u32 v8, v58;
	v10 =	vand.u32 $0x7F, v59  }
0x43: {  	v11 =	vand.u32 $0x7F, v60;
	v10 =	vor.u32 v8, v10  }
0x44: {  	v7 =	vshrl.u32 v7, $0x17;
	v11 =	vor.u32 v8, v11  }
0x45: {  	v7 =	vadd.s32 v8, v7;
	_ =	sdelay $0x1  }
0x46: {  	[tilespmem:v9+s14+$0x0] =	vst.idx.add.f32.msk $0xffff, v4  }
0x47: {  	[tilespmem:v10+s14+$0x0] =	vst.idx.add.f32.msk $0xffff, v4  }
0x48: {  	[tilespmem:v11+s14+$0x0] =	vst.idx.add.f32.msk $0xffff, v4  }
0x49: {  	[tilespmem:v7+s14+$0x0] =	vst.idx.add.f32.msk $0xffff, v4  }
0x4a: {  	v7 =	vld [tilespmem:s22+$0x20];
	_ =	sdelay $0x4  }
0x4b: {  	v8 =	vor.u32 s21, v6;
	v61 =	vand.u32 $0x7F, v7;
	v62 =	vshrl.u32 v7, $0x7  }
0x4c: {  	v63 =	vshrl.u32 v7, $0x10;
	v9 =	vor.u32 v8, v61;
	v10 =	vand.u32 $0x7F, v62  }
0x4d: {  	v11 =	vand.u32 $0x7F, v63;
	v10 =	vor.u32 v8, v10  }
0x4e: {  	v7 =	vshrl.u32 v7, $0x17;
	v11 =	vor.u32 v8, v11  }
0x4f: {  	p0 =	sne.s32 s21, $0x3C00;
	v7 =	vadd.s32 v8, v7  }
.Ltmp1:
0x50: {  	_ = 	snop;
	(pc) =	sbr.rel @p0 .LBB2_4-.Ltmp1, $4  }
0x51: {  	[tilespmem:v9+s14+$0x0] =	vst.idx.add.f32.msk $0xffff, v4  }
0x52: {  	[tilespmem:v10+s14+$0x0] =	vst.idx.add.f32.msk $0xffff, v4  }
0x53: {  	[tilespmem:v11+s14+$0x0] =	vst.idx.add.f32.msk $0xffff, v4  }
0x54: {  	s21 =	sadd.s32 $0x400, s21;
	s22 =	sadd.s32 $0x50, s22;
	[tilespmem:v7+s14+$0x0] =	vst.idx.add.f32.msk $0xffff, v4  }
0x55: {  	[hbm4b:s5+s2] =	stream.linear.scatter [tilespmem:s14], [sflag:$0x3], $0x4000, $0x38;
	[tilespmem:$0x10A00] =	vst v63  }
0x56: {  	_ =	swait.ge [sflag:s15], $0x500  }
0x57: {  	[sflag:s15] =	ssyncset.done $0x0  }
0x58: {  	s21 =	simm.s32 $0x4000;
	s22 =	simm.s32 $0x520;
	[sflag:s15] =	ssyncadd.s32 $0xFFFFFB00  }
0x59: {  	[tilespmem:s2], [sflag:$0x1] =	stream.linear.gather [hbm4b:s6+s2], $0x500, $0x38;
	[tilespmem:$0x10A00] =	vst v63  }
.LBB2_6:
0x5a: {  	v7 =	vld [tilespmem:s22+$0xFFFFFFE0];
	_ =	sdelay $0x4  }
0x5b: {  	v8 =	vor.u32 s21, v0;
	v9 =	vand.u32 $0x7F, v7;
	v10 =	vshrl.u32 v7, $0x7  }
0x5c: {  	v11 =	vshrl.u32 v7, $0x10;
	v9 =	vor.u32 v8, v9;
	v10 =	vand.u32 $0x7F, v10  }
0x5d: {  	v11 =	vand.u32 $0x7F, v11;
	v10 =	vor.u32 v8, v10  }
0x5e: {  	v7 =	vshrl.u32 v7, $0x17;
	v11 =	vor.u32 v8, v11  }
0x5f: {  	v7 =	vadd.s32 v8, v7;
	_ =	sdelay $0x1  }
0x60: {  	[tilespmem:v9+s14+$0x0] =	vst.idx.add.f32.msk $0xffff, v4  }
0x61: {  	[tilespmem:v10+s14+$0x0] =	vst.idx.add.f32.msk $0xffff, v4  }
0x62: {  	[tilespmem:v11+s14+$0x0] =	vst.idx.add.f32.msk $0xffff, v4  }
0x63: {  	[tilespmem:v7+s14+$0x0] =	vst.idx.add.f32.msk $0xffff, v4  }
0x64: {  	v7 =	vld [tilespmem:s22+$0xFFFFFFF0];
	_ =	sdelay $0x4  }
0x65: {  	v8 =	vor.u32 s21, v2;
	v52 =	vand.u32 $0x7F, v7;
	v53 =	vshrl.u32 v7, $0x7  }
0x66: {  	v54 =	vshrl.u32 v7, $0x10;
	v9 =	vor.u32 v8, v52;
	v10 =	vand.u32 $0x7F, v53  }
0x67: {  	v11 =	vand.u32 $0x7F, v54;
	v10 =	vor.u32 v8, v10  }
0x68: {  	v7 =	vshrl.u32 v7, $0x17;
	v11 =	vor.u32 v8, v11  }
0x69: {  	v7 =	vadd.s32 v8, v7;
	_ =	sdelay $0x1  }
0x6a: {  	[tilespmem:v9+s14+$0x0] =	vst.idx.add.f32.msk $0xffff, v4  }
0x6b: {  	[tilespmem:v10+s14+$0x0] =	vst.idx.add.f32.msk $0xffff, v4  }
0x6c: {  	[tilespmem:v11+s14+$0x0] =	vst.idx.add.f32.msk $0xffff, v4  }
0x6d: {  	[tilespmem:v7+s14+$0x0] =	vst.idx.add.f32.msk $0xffff, v4  }
0x6e: {  	v7 =	vld [tilespmem:s22+$0x0];
	_ =	sdelay $0x4  }
0x6f: {  	v8 =	vor.u32 s21, v5;
	v55 =	vand.u32 $0x7F, v7;
	v56 =	vshrl.u32 v7, $0x7  }
0x70: {  	v57 =	vshrl.u32 v7, $0x10;
	v9 =	vor.u32 v8, v55;
	v10 =	vand.u32 $0x7F, v56  }
0x71: {  	v11 =	vand.u32 $0x7F, v57;
	v10 =	vor.u32 v8, v10  }
0x72: {  	v7 =	vshrl.u32 v7, $0x17;
	v11 =	vor.u32 v8, v11  }
0x73: {  	v7 =	vadd.s32 v8, v7;
	_ =	sdelay $0x1  }
0x74: {  	[tilespmem:v9+s14+$0x0] =	vst.idx.add.f32.msk $0xffff, v4  }
0x75: {  	[tilespmem:v10+s14+$0x0] =	vst.idx.add.f32.msk $0xffff, v4  }
0x76: {  	[tilespmem:v11+s14+$0x0] =	vst.idx.add.f32.msk $0xffff, v4  }
0x77: {  	[tilespmem:v7+s14+$0x0] =	vst.idx.add.f32.msk $0xffff, v4  }
0x78: {  	v7 =	vld [tilespmem:s22+$0x10];
	_ =	sdelay $0x4  }
0x79: {  	v8 =	vor.u32 s21, v3;
	v58 =	vand.u32 $0x7F, v7;
	v59 =	vshrl.u32 v7, $0x7  }
0x7a: {  	v60 =	vshrl.u32 v7, $0x10;
	v9 =	vor.u32 v8, v58;
	v10 =	vand.u32 $0x7F, v59  }
0x7b: {  	v11 =	vand.u32 $0x7F, v60;
	v10 =	vor.u32 v8, v10  }
0x7c: {  	v7 =	vshrl.u32 v7, $0x17;
	v11 =	vor.u32 v8, v11  }
0x7d: {  	v7 =	vadd.s32 v8, v7;
	_ =	sdelay $0x1  }
0x7e: {  	[tilespmem:v9+s14+$0x0] =	vst.idx.add.f32.msk $0xffff, v4  }
0x7f: {  	[tilespmem:v10+s14+$0x0] =	vst.idx.add.f32.msk $0xffff, v4  }
0x80: {  	[tilespmem:v11+s14+$0x0] =	vst.idx.add.f32.msk $0xffff, v4  }
0x81: {  	[tilespmem:v7+s14+$0x0] =	vst.idx.add.f32.msk $0xffff, v4  }
0x82: {  	v7 =	vld [tilespmem:s22+$0x20];
	_ =	sdelay $0x4  }
0x83: {  	v8 =	vor.u32 s21, v6;
	v61 =	vand.u32 $0x7F, v7;
	v62 =	vshrl.u32 v7, $0x7  }
0x84: {  	v63 =	vshrl.u32 v7, $0x10;
	v9 =	vor.u32 v8, v61;
	v10 =	vand.u32 $0x7F, v62  }
0x85: {  	v11 =	vand.u32 $0x7F, v63;
	v10 =	vor.u32 v8, v10  }
0x86: {  	v7 =	vshrl.u32 v7, $0x17;
	v11 =	vor.u32 v8, v11  }
0x87: {  	p0 =	sne.s32 s21, $0x7C00;
	v7 =	vadd.s32 v8, v7  }
.Ltmp2:
0x88: {  	_ = 	snop;
	(pc) =	sbr.rel @p0 .LBB2_6-.Ltmp2, $4  }
0x89: {  	[tilespmem:v9+s14+$0x0] =	vst.idx.add.f32.msk $0xffff, v4  }
0x8a: {  	[tilespmem:v10+s14+$0x0] =	vst.idx.add.f32.msk $0xffff, v4  }
0x8b: {  	[tilespmem:v11+s14+$0x0] =	vst.idx.add.f32.msk $0xffff, v4  }
0x8c: {  	s21 =	sadd.s32 $0x400, s21;
	s22 =	sadd.s32 $0x50, s22;
	[tilespmem:v7+s14+$0x0] =	vst.idx.add.f32.msk $0xffff, v4  }
0x8d: {  	[hbm4b:s7+s2] =	stream.linear.scatter [tilespmem:s16], [sflag:$0x3], $0x4000, $0x38;
	[tilespmem:$0x10A00] =	vst v63  }
0x8e: {  	_ =	swait.ge [sflag:s12], $0x500  }
0x8f: {  	[sflag:s12] =	ssyncset.done $0x0  }
0x90: {  	s21 =	simm.s32 $0x8000;
	s22 =	simm.s32 $0x20;
	[sflag:s12] =	ssyncadd.s32 $0xFFFFFB00  }
0x91: {  	[tilespmem:s13], [sflag:$0x2] =	stream.linear.gather [hbm4b:s8+s2], $0x500, $0x38;
	[tilespmem:$0x10A00] =	vst v63  }
.LBB2_8:
0x92: {  	v7 =	vld [tilespmem:s22+$0xFFFFFFE0];
	_ =	sdelay $0x4  }
0x93: {  	v8 =	vor.u32 s21, v0;
	v9 =	vand.u32 $0x7F, v7;
	v10 =	vshrl.u32 v7, $0x7  }
0x94: {  	v11 =	vshrl.u32 v7, $0x10;
	v9 =	vor.u32 v8, v9;
	v10 =	vand.u32 $0x7F, v10  }
0x95: {  	v11 =	vand.u32 $0x7F, v11;
	v10 =	vor.u32 v8, v10  }
0x96: {  	v7 =	vshrl.u32 v7, $0x17;
	v11 =	vor.u32 v8, v11  }
0x97: {  	v7 =	vadd.s32 v8, v7;
	_ =	sdelay $0x1  }
0x98: {  	[tilespmem:v9+s14+$0x0] =	vst.idx.add.f32.msk $0xffff, v4  }
0x99: {  	[tilespmem:v10+s14+$0x0] =	vst.idx.add.f32.msk $0xffff, v4  }
0x9a: {  	[tilespmem:v11+s14+$0x0] =	vst.idx.add.f32.msk $0xffff, v4  }
0x9b: {  	[tilespmem:v7+s14+$0x0] =	vst.idx.add.f32.msk $0xffff, v4  }
0x9c: {  	v7 =	vld [tilespmem:s22+$0xFFFFFFF0];
	_ =	sdelay $0x4  }
0x9d: {  	v8 =	vor.u32 s21, v2;
	v52 =	vand.u32 $0x7F, v7;
	v53 =	vshrl.u32 v7, $0x7  }
0x9e: {  	v54 =	vshrl.u32 v7, $0x10;
	v9 =	vor.u32 v8, v52;
	v10 =	vand.u32 $0x7F, v53  }
0x9f: {  	v11 =	vand.u32 $0x7F, v54;
	v10 =	vor.u32 v8, v10  }
0xa0: {  	v7 =	vshrl.u32 v7, $0x17;
	v11 =	vor.u32 v8, v11  }
0xa1: {  	v7 =	vadd.s32 v8, v7;
	_ =	sdelay $0x1  }
0xa2: {  	[tilespmem:v9+s14+$0x0] =	vst.idx.add.f32.msk $0xffff, v4  }
0xa3: {  	[tilespmem:v10+s14+$0x0] =	vst.idx.add.f32.msk $0xffff, v4  }
0xa4: {  	[tilespmem:v11+s14+$0x0] =	vst.idx.add.f32.msk $0xffff, v4  }
0xa5: {  	[tilespmem:v7+s14+$0x0] =	vst.idx.add.f32.msk $0xffff, v4  }
0xa6: {  	v7 =	vld [tilespmem:s22+$0x0];
	_ =	sdelay $0x4  }
0xa7: {  	v8 =	vor.u32 s21, v5;
	v55 =	vand.u32 $0x7F, v7;
	v56 =	vshrl.u32 v7, $0x7  }
0xa8: {  	v57 =	vshrl.u32 v7, $0x10;
	v9 =	vor.u32 v8, v55;
	v10 =	vand.u32 $0x7F, v56  }
0xa9: {  	v11 =	vand.u32 $0x7F, v57;
	v10 =	vor.u32 v8, v10  }
0xaa: {  	v7 =	vshrl.u32 v7, $0x17;
	v11 =	vor.u32 v8, v11  }
0xab: {  	v7 =	vadd.s32 v8, v7;
	_ =	sdelay $0x1  }
0xac: {  	[tilespmem:v9+s14+$0x0] =	vst.idx.add.f32.msk $0xffff, v4  }
0xad: {  	[tilespmem:v10+s14+$0x0] =	vst.idx.add.f32.msk $0xffff, v4  }
0xae: {  	[tilespmem:v11+s14+$0x0] =	vst.idx.add.f32.msk $0xffff, v4  }
0xaf: {  	[tilespmem:v7+s14+$0x0] =	vst.idx.add.f32.msk $0xffff, v4  }
0xb0: {  	v7 =	vld [tilespmem:s22+$0x10];
	_ =	sdelay $0x4  }
0xb1: {  	v8 =	vor.u32 s21, v3;
	v58 =	vand.u32 $0x7F, v7;
	v59 =	vshrl.u32 v7, $0x7  }
0xb2: {  	v60 =	vshrl.u32 v7, $0x10;
	v9 =	vor.u32 v8, v58;
	v10 =	vand.u32 $0x7F, v59  }
0xb3: {  	v11 =	vand.u32 $0x7F, v60;
	v10 =	vor.u32 v8, v10  }
0xb4: {  	v7 =	vshrl.u32 v7, $0x17;
	v11 =	vor.u32 v8, v11  }
0xb5: {  	v7 =	vadd.s32 v8, v7;
	_ =	sdelay $0x1  }
0xb6: {  	[tilespmem:v9+s14+$0x0] =	vst.idx.add.f32.msk $0xffff, v4  }
0xb7: {  	[tilespmem:v10+s14+$0x0] =	vst.idx.add.f32.msk $0xffff, v4  }
0xb8: {  	[tilespmem:v11+s14+$0x0] =	vst.idx.add.f32.msk $0xffff, v4  }
0xb9: {  	[tilespmem:v7+s14+$0x0] =	vst.idx.add.f32.msk $0xffff, v4  }
0xba: {  	v7 =	vld [tilespmem:s22+$0x20];
	_ =	sdelay $0x4  }
0xbb: {  	v8 =	vor.u32 s21, v6;
	v61 =	vand.u32 $0x7F, v7;
	v62 =	vshrl.u32 v7, $0x7  }
0xbc: {  	v63 =	vshrl.u32 v7, $0x10;
	v9 =	vor.u32 v8, v61;
	v10 =	vand.u32 $0x7F, v62  }
0xbd: {  	v11 =	vand.u32 $0x7F, v63;
	v10 =	vor.u32 v8, v10  }
0xbe: {  	v7 =	vshrl.u32 v7, $0x17;
	v11 =	vor.u32 v8, v11  }
0xbf: {  	p0 =	sne.s32 s21, $0xBC00;
	v7 =	vadd.s32 v8, v7  }
.Ltmp3:
0xc0: {  	_ = 	snop;
	(pc) =	sbr.rel @p0 .LBB2_8-.Ltmp3, $4  }
0xc1: {  	[tilespmem:v9+s14+$0x0] =	vst.idx.add.f32.msk $0xffff, v4  }
0xc2: {  	[tilespmem:v10+s14+$0x0] =	vst.idx.add.f32.msk $0xffff, v4  }
0xc3: {  	[tilespmem:v11+s14+$0x0] =	vst.idx.add.f32.msk $0xffff, v4  }
0xc4: {  	s21 =	sadd.s32 $0x400, s21;
	s22 =	sadd.s32 $0x50, s22;
	[tilespmem:v7+s14+$0x0] =	vst.idx.add.f32.msk $0xffff, v4  }
0xc5: {  	[hbm4b:s9+s2] =	stream.linear.scatter [tilespmem:s17], [sflag:$0x3], $0x4000, $0x38;
	[tilespmem:$0x10A00] =	vst v63  }
0xc6: {  	_ =	swait.ge [sflag:s15], $0x500  }
0xc7: {  	[sflag:s15] =	ssyncset.done $0x0  }
0xc8: {  	s21 =	simm.s32 $0xC000;
	s22 =	simm.s32 $0x520;
	[sflag:s15] =	ssyncadd.s32 $0xFFFFFB00  }
.LBB2_10:
0xc9: {  	v7 =	vld [tilespmem:s22+$0xFFFFFFE0];
	_ =	sdelay $0x4  }
0xca: {  	v8 =	vor.u32 s21, v0;
	v9 =	vand.u32 $0x7F, v7;
	v10 =	vshrl.u32 v7, $0x7  }
0xcb: {  	v11 =	vshrl.u32 v7, $0x10;
	v9 =	vor.u32 v8, v9;
	v10 =	vand.u32 $0x7F, v10  }
0xcc: {  	v11 =	vand.u32 $0x7F, v11;
	v10 =	vor.u32 v8, v10  }
0xcd: {  	v7 =	vshrl.u32 v7, $0x17;
	v11 =	vor.u32 v8, v11  }
0xce: {  	v7 =	vadd.s32 v8, v7;
	_ =	sdelay $0x1  }
0xcf: {  	[tilespmem:v9+s14+$0x0] =	vst.idx.add.f32.msk $0xffff, v4  }
0xd0: {  	[tilespmem:v10+s14+$0x0] =	vst.idx.add.f32.msk $0xffff, v4  }
0xd1: {  	[tilespmem:v11+s14+$0x0] =	vst.idx.add.f32.msk $0xffff, v4  }
0xd2: {  	[tilespmem:v7+s14+$0x0] =	vst.idx.add.f32.msk $0xffff, v4  }
0xd3: {  	v7 =	vld [tilespmem:s22+$0xFFFFFFF0];
	_ =	sdelay $0x4  }
0xd4: {  	v8 =	vor.u32 s21, v2;
	v52 =	vand.u32 $0x7F, v7;
	v53 =	vshrl.u32 v7, $0x7  }
0xd5: {  	v54 =	vshrl.u32 v7, $0x10;
	v9 =	vor.u32 v8, v52;
	v10 =	vand.u32 $0x7F, v53  }
0xd6: {  	v11 =	vand.u32 $0x7F, v54;
	v10 =	vor.u32 v8, v10  }
0xd7: {  	v7 =	vshrl.u32 v7, $0x17;
	v11 =	vor.u32 v8, v11  }
0xd8: {  	v7 =	vadd.s32 v8, v7;
	_ =	sdelay $0x1  }
0xd9: {  	[tilespmem:v9+s14+$0x0] =	vst.idx.add.f32.msk $0xffff, v4  }
0xda: {  	[tilespmem:v10+s14+$0x0] =	vst.idx.add.f32.msk $0xffff, v4  }
0xdb: {  	[tilespmem:v11+s14+$0x0] =	vst.idx.add.f32.msk $0xffff, v4  }
0xdc: {  	[tilespmem:v7+s14+$0x0] =	vst.idx.add.f32.msk $0xffff, v4  }
0xdd: {  	v7 =	vld [tilespmem:s22+$0x0];
	_ =	sdelay $0x4  }
0xde: {  	v8 =	vor.u32 s21, v5;
	v55 =	vand.u32 $0x7F, v7;
	v56 =	vshrl.u32 v7, $0x7  }
0xdf: {  	v57 =	vshrl.u32 v7, $0x10;
	v9 =	vor.u32 v8, v55;
	v10 =	vand.u32 $0x7F, v56  }
0xe0: {  	v11 =	vand.u32 $0x7F, v57;
	v10 =	vor.u32 v8, v10  }
0xe1: {  	v7 =	vshrl.u32 v7, $0x17;
	v11 =	vor.u32 v8, v11  }
0xe2: {  	v7 =	vadd.s32 v8, v7;
	_ =	sdelay $0x1  }
0xe3: {  	[tilespmem:v9+s14+$0x0] =	vst.idx.add.f32.msk $0xffff, v4  }
0xe4: {  	[tilespmem:v10+s14+$0x0] =	vst.idx.add.f32.msk $0xffff, v4  }
0xe5: {  	[tilespmem:v11+s14+$0x0] =	vst.idx.add.f32.msk $0xffff, v4  }
0xe6: {  	[tilespmem:v7+s14+$0x0] =	vst.idx.add.f32.msk $0xffff, v4  }
0xe7: {  	v7 =	vld [tilespmem:s22+$0x10];
	_ =	sdelay $0x4  }
0xe8: {  	v8 =	vor.u32 s21, v3;
	v58 =	vand.u32 $0x7F, v7;
	v59 =	vshrl.u32 v7, $0x7  }
0xe9: {  	v60 =	vshrl.u32 v7, $0x10;
	v9 =	vor.u32 v8, v58;
	v10 =	vand.u32 $0x7F, v59  }
0xea: {  	v11 =	vand.u32 $0x7F, v60;
	v10 =	vor.u32 v8, v10  }
0xeb: {  	v7 =	vshrl.u32 v7, $0x17;
	v11 =	vor.u32 v8, v11  }
0xec: {  	v7 =	vadd.s32 v8, v7;
	_ =	sdelay $0x1  }
0xed: {  	[tilespmem:v9+s14+$0x0] =	vst.idx.add.f32.msk $0xffff, v4  }
0xee: {  	[tilespmem:v10+s14+$0x0] =	vst.idx.add.f32.msk $0xffff, v4  }
0xef: {  	[tilespmem:v11+s14+$0x0] =	vst.idx.add.f32.msk $0xffff, v4  }
0xf0: {  	[tilespmem:v7+s14+$0x0] =	vst.idx.add.f32.msk $0xffff, v4  }
0xf1: {  	v7 =	vld [tilespmem:s22+$0x20];
	_ =	sdelay $0x4  }
0xf2: {  	v8 =	vor.u32 s21, v6;
	v61 =	vand.u32 $0x7F, v7;
	v62 =	vshrl.u32 v7, $0x7  }
0xf3: {  	v63 =	vshrl.u32 v7, $0x10;
	v9 =	vor.u32 v8, v61;
	v10 =	vand.u32 $0x7F, v62  }
0xf4: {  	v11 =	vand.u32 $0x7F, v63;
	v10 =	vor.u32 v8, v10  }
0xf5: {  	v7 =	vshrl.u32 v7, $0x17;
	v11 =	vor.u32 v8, v11  }
0xf6: {  	p0 =	sne.s32 s21, $0xFC00;
	v7 =	vadd.s32 v8, v7  }
.Ltmp4:
0xf7: {  	_ = 	snop;
	(pc) =	sbr.rel @p0 .LBB2_10-.Ltmp4, $4  }
0xf8: {  	[tilespmem:v9+s14+$0x0] =	vst.idx.add.f32.msk $0xffff, v4  }
0xf9: {  	[tilespmem:v10+s14+$0x0] =	vst.idx.add.f32.msk $0xffff, v4  }
0xfa: {  	[tilespmem:v11+s14+$0x0] =	vst.idx.add.f32.msk $0xffff, v4  }
0xfb: {  	s21 =	sadd.s32 $0x400, s21;
	s22 =	sadd.s32 $0x50, s22;
	[tilespmem:v7+s14+$0x0] =	vst.idx.add.f32.msk $0xffff, v4  }
0xfc: {  	[hbm4b:s10+s2] =	stream.linear.scatter [tilespmem:s18], [sflag:$0x3], $0x4000, $0x38;
	[tilespmem:$0x10A00] =	vst v63  }
0xfd: {  	_ =	swait.ge [sflag:s19], $0x4000  }
0xfe: {  	[sflag:s19] =	ssyncset.done $0x0  }
0xff: {  	[sflag:s19] =	ssyncadd.s32 $0xFFFFC000  }
0x100: {  	_ =	swait.ge [sflag:s19], $0x4000  }
0x101: {  	[sflag:s19] =	ssyncset.done $0x0  }
0x102: {  	s20 =	sadd.s32 $0x1, s20;
	[sflag:s19] =	ssyncadd.s32 $0xFFFFC000  }
0x103: {  	p0 =	sne.s32 s20, s11;
	_ =	swait.ge [sflag:s19], $0x4000  }
.Ltmp5:
0x104: {  	[sflag:s19] =	ssyncset.done $0x0;
	(pc) =	sbr.rel @p0 .LBB2_1-.Ltmp5, $4  }
0x105: {  	[sflag:s19] =	ssyncadd.s32 $0xFFFFC000  }
0x106: {  	_ =	swait.ge [sflag:s19], $0x4000  }
0x107: {  	[sflag:s19] =	ssyncset.done $0x0  }
0x108: {  	[sflag:s19] =	ssyncadd.s32 $0xFFFFC000  }
0x109: {  	_ =	sfence.sel $0x180000  }
0x10a: {  	[bflag:$0x0] =	sbarrier.arrive $0xFFFF  }
0x10b: {  	p0 =	sne.s32 s0, $0x0;
	_ =	strace $0x90000047  }
0x10c: {  	s0 =	sadd.s32 @!p0 $0x100000, s1;
	[bflag:$0x2] =	sbarrier.arrive $0xFFFF  }
0x10d: {  	[sflag:s0] =	ssyncadd.tile.s32 @!p0 $0x1;
	_ =	shalt  }
.Lfunc_end2:
_tile_overlayer_lowered:
.L_overlay_start_2:
0x10e: {  	(tag) =	ssettag $0x2  }
0x10f: {  	s0 =	rddreg [dreg:$0x0];
	s2 =	stileid.u32  }
0x110: {  	s1 =	rddreg [dreg:$0x1];
	p0 =	sne.s32 s2, $0x0  }
0x111: {  	s3 =	rddreg [dreg:$0x2];
	[bflag:$0x3] =	sbarrier.arrive $0xFFFF;
	s2 =	simm.s32 @!p0 $0x1C04  }
0x112: {  	[timem:s3], [sflag:s2] =	dma.local @!p0 [hbm:s0], s1  }
0x113: {  	s0 =	simm.s32 @!p0 $0x4  }
0x114: {  	_ =	swait.ge @!p0 [sflag:s0], s1  }
0x115: {  	s1 =	ssub.s32 @!p0 $0x0, s1;
	[sflag:s0] =	ssyncset.done @!p0 $0x0  }
0x116: {  	[sflag:s0] =	ssyncadd.s32 @!p0 s1  }
0x117: {  	[bflag:$0x3] =	sbarrier.arrive $0xFFFF  }
0x118: {  	_ =	shalt  }

</sc_bundles>
